<compile_context>
chip_gen: v7x
topology: tpu7x:2x2x1
jax: 0.10.2.dev20260603
libtpu: 0.0.44.dev20260713+nightly
codegen_flags: <defaults>
</compile_context>

<pallas_src>
import jax
import jax.numpy as jnp
from jax import lax
from jax.experimental import pallas as pl
from jax.experimental.pallas import tpu as pltpu
from jax.experimental.pallas import tpu_sc as plsc

B = 16384
L = 14
M = 512
P = 1024
NP1 = 16384
PAD = NP1 - 1
NW = 32
COLS = B // NW
EPW = L * COLS
CHUNK = 128
CPS = COLS // CHUNK

_f32 = jnp.float32
_i32 = jnp.int32


def _sc_gather_body(paths_hbm, midx_hbm, pidx_hbm, bg_hbm, meta_hbm, pers_hbm,
                    bg_out, meta_out, pers_out,
                    paths_v, m_v, p_v, bg_v, im_v, ip_v, vm_v, vp_v, bga_v,
                    sem):
    wid = lax.axis_index("s") * 2 + lax.axis_index("c")
    base = wid * COLS

    cps = [
        pltpu.async_copy(paths_hbm.at[:, pl.ds(base, COLS)], paths_v, sem),
        pltpu.async_copy(midx_hbm.at[pl.ds(base, COLS)], m_v, sem),
        pltpu.async_copy(pidx_hbm.at[pl.ds(base, COLS)], p_v, sem),
        pltpu.async_copy(bg_hbm, bg_v, sem),
    ]
    for cp in cps:
        cp.wait()

    def build_fire(j, carry):
        l = j // CPS
        c = j % CPS
        for k in range(CHUNK // 16):
            o = c * CHUNK + k * 16
            n = paths_v[l, pl.ds(o, 16)]
            m = m_v[pl.ds(o, 16)]
            q = p_v[pl.ds(o, 16)]
            im_v[l, pl.ds(o, 16)] = m * NP1 + n
            ip_v[l, pl.ds(o, 16)] = q * NP1 + n
        pltpu.async_copy(meta_hbm.at[im_v.at[l, pl.ds(c * CHUNK, CHUNK)]],
                         vm_v.at[l, pl.ds(c * CHUNK, CHUNK)], sem)
        pltpu.async_copy(pers_hbm.at[ip_v.at[l, pl.ds(c * CHUNK, CHUNK)]],
                         vp_v.at[l, pl.ds(c * CHUNK, CHUNK)], sem)
        return carry

    lax.fori_loop(0, L * CPS, build_fire, 0)

    def bgather(j, carry):
        l = j // 32
        o = (j % 32) * 16
        n = paths_v[l, pl.ds(o, 16)]
        bga_v[l, pl.ds(o, 16)] = plsc.load_gather(bg_v, [n])
        return carry

    lax.fori_loop(0, L * 32, bgather, 0)
    pltpu.sync_copy(bga_v, bg_out.at[:, pl.ds(base, COLS)])

    def drain(l, carry):
        pltpu.make_async_copy(meta_hbm.at[pl.ds(0, COLS)],
                              vm_v.at[l], sem).wait()
        pltpu.make_async_copy(pers_hbm.at[pl.ds(0, COLS)],
                              vp_v.at[l], sem).wait()
        return carry

    lax.fori_loop(0, L, drain, 0)
    pltpu.sync_copy(vm_v, meta_out.at[:, pl.ds(base, COLS)])
    pltpu.sync_copy(vp_v, pers_out.at[:, pl.ds(base, COLS)])


_sc_gather = pl.kernel(
    _sc_gather_body,
    out_type=[jax.ShapeDtypeStruct((L, B), _f32) for _ in range(3)],
    mesh=plsc.VectorSubcoreMesh(core_axis_name="c", subcore_axis_name="s"),
    compiler_params=pltpu.CompilerParams(needs_layout_passes=False),
    scratch_types=[
        pltpu.VMEM((L, COLS), _i32),
        pltpu.VMEM((COLS,), _i32),
        pltpu.VMEM((COLS,), _i32),
        pltpu.VMEM((NP1,), _f32),
        pltpu.VMEM((L, COLS), _i32),
        pltpu.VMEM((L, COLS), _i32),
        pltpu.VMEM((L, COLS), _f32),
        pltpu.VMEM((L, COLS), _f32),
        pltpu.VMEM((L, COLS), _f32),
        pltpu.SemaphoreType.DMA,
    ],
)


_TC_BLK = 2048


def _tc_finish_body(bg_ref, m_ref, p_ref, s_ref, q_ref, o_ref):
    x = s_ref[...] * (bg_ref[...] + m_ref[...] + p_ref[...])
    y = jnp.minimum(x, 0.0) - jnp.log(1.0 + jnp.exp(-jnp.abs(x)))
    z = y * (q_ref[...] != PAD).astype(_f32)
    o_ref[...] = jnp.sum(z, axis=0)


_tc_finish = pl.pallas_call(
    _tc_finish_body,
    grid=(B // _TC_BLK,),
    in_specs=[pl.BlockSpec((L, _TC_BLK), lambda i: (0, i)) for _ in range(5)],
    out_specs=pl.BlockSpec((_TC_BLK,), lambda i: (i,)),
    out_shape=jax.ShapeDtypeStruct((B,), _f32),
)


def kernel(r, m_idx, p_idx, node_paths, node_signs, eta_bg, eta_meta, eta_pers):
    del r
    paths_t = node_paths.T
    signs_t = node_signs.T
    meta_lin = eta_meta.reshape(-1)
    pers_lin = eta_pers.reshape(-1)
    bgv, mv, pv = _sc_gather(
        paths_t,
        m_idx.astype(_i32),
        p_idx.astype(_i32),
        eta_bg,
        meta_lin,
        pers_lin,
    )
    return _tc_finish(bgv, mv, pv, signs_t, paths_t)

# --- scband reference (transcript-rebuilt; emitter-appended) ---
"""Pipeline reference for scband-per-role-hierarchical-sage-42417097017176 (READ-ONLY COPY).

The authoritative reference and input builder live on the scoring server;
editing this copy changes nothing except your own understanding.
"""

import jax, jax.numpy as jnp
import numpy as np

B, L = 16384, 14
M, P, N = 512, 1024, 16383


def setup_inputs(seed: int = 0) -> dict:
    key = jax.random.key(seed)
    ks = jax.random.split(key, 7)
    m_idx = jax.random.randint(ks[0], (B,), 0, M)
    p_idx = jax.random.randint(ks[1], (B,), 0, P)
    node_paths = jax.random.randint(ks[2], (B, L), 0, N + 1)
    node_signs = jax.random.normal(ks[3], (B, L), dtype=jnp.float32)
    # learned parameters for role r=0 (sized per init_kwargs: n+1 slots, last is padding)
    eta_bg = jax.random.normal(ks[4], (N + 1,), dtype=jnp.float32) * 0.02
    eta_meta = jax.random.normal(ks[5], (M, N + 1), dtype=jnp.float32) * 0.02
    eta_pers = jax.random.normal(ks[6], (P, N + 1), dtype=jnp.float32) * 0.02
    return {"r": 0, "m_idx": m_idx, "p_idx": p_idx, "node_paths": node_paths,
            "node_signs": node_signs, "eta_bg": eta_bg, "eta_meta": eta_meta,
            "eta_pers": eta_pers}


def reference(r, m_idx, p_idx, node_paths, node_signs, eta_bg, eta_meta, eta_pers):
    # pad index for role r is num_internal_nodes_per_role[r] = (N+1) - 1
    pad = eta_bg.shape[0] - 1
    bg = jnp.take(eta_bg, node_paths, axis=0)                    # [B, L]
    meta = eta_meta[m_idx[:, None], node_paths]                  # [B, L] gather
    pers = eta_pers[p_idx[:, None], node_paths]                  # [B, L] gather
    logits = bg + meta + pers
    path_mask = (node_paths != pad).astype(logits.dtype)
    return (jax.nn.log_sigmoid(node_signs * logits) * path_mask).sum(axis=1)

if __name__ == "__main__":
    import jax
    _d = setup_inputs()
    print(jax.jit(kernel)(*tuple(_d.values())))

</pallas_src>

<mosaic_0001>
#map = affine_map<(d0, d1) -> (0, 0)>
#map1 = affine_map<(d0, d1) -> (0)>
module attributes {stable_mosaic.version = 14 : i64} {
  func.func @_sc_gather_body(%arg0: i32, %arg1: i32, %arg2: memref<14x16384xi32, #tpu.memory_space<hbm>>, %arg3: memref<16384xi32, #tpu.memory_space<hbm>>, %arg4: memref<16384xi32, #tpu.memory_space<hbm>>, %arg5: memref<16384xf32, #tpu.memory_space<hbm>>, %arg6: memref<8388608xf32, #tpu.memory_space<hbm>>, %arg7: memref<16777216xf32, #tpu.memory_space<hbm>>, %arg8: memref<14x16384xf32, #tpu.memory_space<hbm>>, %arg9: memref<14x16384xf32, #tpu.memory_space<hbm>>, %arg10: memref<14x16384xf32, #tpu.memory_space<hbm>>, %arg11: memref<14x512xi32, #tpu.memory_space<vmem>>, %arg12: memref<512xi32, #tpu.memory_space<vmem>>, %arg13: memref<512xi32, #tpu.memory_space<vmem>>, %arg14: memref<16384xf32, #tpu.memory_space<vmem>>, %arg15: memref<14x512xi32, #tpu.memory_space<vmem>>, %arg16: memref<14x512xi32, #tpu.memory_space<vmem>>, %arg17: memref<14x512xf32, #tpu.memory_space<vmem>>, %arg18: memref<14x512xf32, #tpu.memory_space<vmem>>, %arg19: memref<14x512xf32, #tpu.memory_space<vmem>>, %arg20: memref<!tpu.dma_semaphore, #tpu.memory_space<semaphore_mem>>) attributes {dimension_semantics = [#tpu.dimension_semantics<core_parallel>, #tpu.dimension_semantics<subcore_parallel>], iteration_bounds = array<i64: 2, 16>, scalar_prefetch = 0 : i64, scratch_operands = 10 : i64, tpu.core_type = #tpu.core_type<sc_vector_subcore>, window_params = [{transform_indices = #map}, {transform_indices = #map1}, {transform_indices = #map1}, {transform_indices = #map1}, {transform_indices = #map1}, {transform_indices = #map1}, {transform_indices = #map}, {transform_indices = #map}, {transform_indices = #map}]} {
    %mul3A = arith.constant 2 : i32
    %mul3A_0 = arith.muli %arg1, %mul3A : i32
    %add3A = arith.addi %mul3A_0, %arg0 : i32
    %mul3A_1 = arith.constant 512 : i32
    %mul3A_2 = arith.muli %add3A, %mul3A_1 : i32
    %dma_start3A = arith.constant 0 : i32
    %dma_start3A_3 = tpu.memref_slice %arg2[%dma_start3A, %mul3A_2] : memref<14x16384xi32, #tpu.memory_space<hbm>> -> memref<14x512xi32, #tpu.memory_space<hbm>>
    %dma_start3A_4 = arith.constant 0 : i32
    %dma_start3A_5 = tpu.memref_slice %arg2[%dma_start3A_4, %mul3A_2] : memref<14x16384xi32, #tpu.memory_space<hbm>> -> memref<14x512xi32, #tpu.memory_space<hbm>>
    tpu.enqueue_dma source(%dma_start3A_5 : memref<14x512xi32, #tpu.memory_space<hbm>>) target(%arg11 : memref<14x512xi32, #tpu.memory_space<vmem>>) target_semaphore(%arg20 : memref<!tpu.dma_semaphore, #tpu.memory_space<semaphore_mem>>)
    %dma_start3A_6 = tpu.memref_slice %arg3[%mul3A_2] : memref<16384xi32, #tpu.memory_space<hbm>> -> memref<512xi32, #tpu.memory_space<hbm>>
    %dma_start3A_7 = tpu.memref_slice %arg3[%mul3A_2] : memref<16384xi32, #tpu.memory_space<hbm>> -> memref<512xi32, #tpu.memory_space<hbm>>
    tpu.enqueue_dma source(%dma_start3A_7 : memref<512xi32, #tpu.memory_space<hbm>>) target(%arg12 : memref<512xi32, #tpu.memory_space<vmem>>) target_semaphore(%arg20 : memref<!tpu.dma_semaphore, #tpu.memory_space<semaphore_mem>>)
    %dma_start3A_8 = tpu.memref_slice %arg4[%mul3A_2] : memref<16384xi32, #tpu.memory_space<hbm>> -> memref<512xi32, #tpu.memory_space<hbm>>
    %dma_start3A_9 = tpu.memref_slice %arg4[%mul3A_2] : memref<16384xi32, #tpu.memory_space<hbm>> -> memref<512xi32, #tpu.memory_space<hbm>>
    tpu.enqueue_dma source(%dma_start3A_9 : memref<512xi32, #tpu.memory_space<hbm>>) target(%arg13 : memref<512xi32, #tpu.memory_space<vmem>>) target_semaphore(%arg20 : memref<!tpu.dma_semaphore, #tpu.memory_space<semaphore_mem>>)
    tpu.enqueue_dma source(%arg5 : memref<16384xf32, #tpu.memory_space<hbm>>) target(%arg14 : memref<16384xf32, #tpu.memory_space<vmem>>) target_semaphore(%arg20 : memref<!tpu.dma_semaphore, #tpu.memory_space<semaphore_mem>>)
    %dma_wait3A = arith.constant 0 : i32
    %dma_wait3A_10 = tpu.memref_slice %arg2[%dma_wait3A, %mul3A_2] : memref<14x16384xi32, #tpu.memory_space<hbm>> -> memref<14x512xi32, #tpu.memory_space<hbm>>
    %dma_wait3A_11 = arith.constant 0 : i32
    %dma_wait3A_12 = tpu.memref_slice %arg2[%dma_wait3A_11, %mul3A_2] : memref<14x16384xi32, #tpu.memory_space<hbm>> -> memref<14x512xi32, #tpu.memory_space<hbm>>
    tpu.wait_dma2 semaphore(%arg20 : memref<!tpu.dma_semaphore, #tpu.memory_space<semaphore_mem>>) src(%dma_wait3A_12 : memref<14x512xi32, #tpu.memory_space<hbm>>) dst(%arg11 : memref<14x512xi32, #tpu.memory_space<vmem>>)
    %dma_wait3A_13 = tpu.memref_slice %arg3[%mul3A_2] : memref<16384xi32, #tpu.memory_space<hbm>> -> memref<512xi32, #tpu.memory_space<hbm>>
    %dma_wait3A_14 = tpu.memref_slice %arg3[%mul3A_2] : memref<16384xi32, #tpu.memory_space<hbm>> -> memref<512xi32, #tpu.memory_space<hbm>>
    tpu.wait_dma2 semaphore(%arg20 : memref<!tpu.dma_semaphore, #tpu.memory_space<semaphore_mem>>) src(%dma_wait3A_14 : memref<512xi32, #tpu.memory_space<hbm>>) dst(%arg12 : memref<512xi32, #tpu.memory_space<vmem>>)
    %dma_wait3A_15 = tpu.memref_slice %arg4[%mul3A_2] : memref<16384xi32, #tpu.memory_space<hbm>> -> memref<512xi32, #tpu.memory_space<hbm>>
    %dma_wait3A_16 = tpu.memref_slice %arg4[%mul3A_2] : memref<16384xi32, #tpu.memory_space<hbm>> -> memref<512xi32, #tpu.memory_space<hbm>>
    tpu.wait_dma2 semaphore(%arg20 : memref<!tpu.dma_semaphore, #tpu.memory_space<semaphore_mem>>) src(%dma_wait3A_16 : memref<512xi32, #tpu.memory_space<hbm>>) dst(%arg13 : memref<512xi32, #tpu.memory_space<vmem>>)
    tpu.wait_dma2 semaphore(%arg20 : memref<!tpu.dma_semaphore, #tpu.memory_space<semaphore_mem>>) src(%arg5 : memref<16384xf32, #tpu.memory_space<hbm>>) dst(%arg14 : memref<16384xf32, #tpu.memory_space<vmem>>)
    %scan3A = arith.constant 0 : i32
    %scan3A_17 = arith.constant 0 : i32
    %scan3A_18 = arith.constant 56 : i32
    %scan3A_19 = arith.addi %scan3A_17, %scan3A_18 : i32
    %scan3A_20 = arith.constant 1 : i32
    scf.for %scan3A_34 = %scan3A_17 to %scan3A_19 step %scan3A_20  : i32 {
      %jit3A = arith.constant 4 : i32
      %div3A = arith.divsi %scan3A_34, %jit3A : i32
      %sign3A = arith.constant 0 : i32
      %sign3A_35 = arith.cmpi sgt, %scan3A_34, %sign3A : i32
      %sign3A_36 = arith.extui %sign3A_35 : i1 to i32
      %sign3A_37 = arith.constant 0 : i32
      %sign3A_38 = arith.cmpi slt, %scan3A_34, %sign3A_37 : i32
      %sign3A_39 = arith.extui %sign3A_38 : i1 to i32
      %sign3A_40 = arith.subi %sign3A_36, %sign3A_39 : i32
      %sign3A_41 = arith.constant 0 : i32
      %sign3A_42 = arith.cmpi sgt, %jit3A, %sign3A_41 : i32
      %sign3A_43 = arith.extui %sign3A_42 : i1 to i32
      %sign3A_44 = arith.constant 0 : i32
      %sign3A_45 = arith.cmpi slt, %jit3A, %sign3A_44 : i32
      %sign3A_46 = arith.extui %sign3A_45 : i1 to i32
      %sign3A_47 = arith.subi %sign3A_43, %sign3A_46 : i32
      %ne3A = arith.cmpi ne, %sign3A_40, %sign3A_47 : i32
      %rem3A = arith.remsi %scan3A_34, %jit3A : i32
      %ne3A_48 = arith.constant 0 : i32
      %ne3A_49 = arith.cmpi ne, %rem3A, %ne3A_48 : i32
      %and3A = arith.andi %ne3A, %ne3A_49 : i1
      %sub3A = arith.constant 1 : i32
      %sub3A_50 = arith.subi %div3A, %sub3A : i32
      %select_n3A = arith.select %and3A, %sub3A_50, %div3A : i32
      %jit3A_51 = arith.constant 4 : i32
      %eq3A = arith.constant 0 : i32
      %eq3A_52 = arith.cmpi eq, %jit3A_51, %eq3A : i32
      %jit3A_53 = arith.constant 1 : i32
      %select_n3A_54 = arith.select %eq3A_52, %jit3A_53, %jit3A_51 : i32
      %rem3A_55 = arith.remsi %scan3A_34, %select_n3A_54 : i32
      %ne3A_56 = arith.constant 0 : i32
      %ne3A_57 = arith.cmpi ne, %rem3A_55, %ne3A_56 : i32
      %lt3A = arith.constant 0 : i32
      %lt3A_58 = arith.cmpi slt, %rem3A_55, %lt3A : i32
      %lt3A_59 = arith.constant 0 : i32
      %lt3A_60 = arith.cmpi slt, %select_n3A_54, %lt3A_59 : i32
      %ne3A_61 = arith.xori %lt3A_58, %lt3A_60 : i1
      %and3A_62 = arith.andi %ne3A_61, %ne3A_57 : i1
      %add3A_63 = arith.addi %rem3A_55, %select_n3A_54 : i32
      %select_n3A_64 = arith.select %and3A_62, %add3A_63, %rem3A_55 : i32
      %mul3A_65 = arith.constant 128 : i32
      %mul3A_66 = arith.muli %select_n3A_64, %mul3A_65 : i32
      %add3A_67 = arith.constant 0 : i32
      %add3A_68 = arith.addi %mul3A_66, %add3A_67 : i32
      %get3A = arith.index_cast %select_n3A : i32 to index
      %get3A_69 = arith.index_cast %add3A_68 : i32 to index
      %get3A_70 = tpu.vector_load %arg11[%get3A, %get3A_69] {strides = array<i32>} : memref<14x512xi32, #tpu.memory_space<vmem>>, vector<16xi32>,
      %get3A_71 = arith.index_cast %add3A_68 : i32 to index
      %get3A_72 = tpu.vector_load %arg12[%get3A_71] {strides = array<i32>} : memref<512xi32, #tpu.memory_space<vmem>>, vector<16xi32>,
      %get3A_73 = arith.index_cast %add3A_68 : i32 to index
      %get3A_74 = tpu.vector_load %arg13[%get3A_73] {strides = array<i32>} : memref<512xi32, #tpu.memory_space<vmem>>, vector<16xi32>,
      %mul3A_75 = arith.constant 16384 : i32
      %mul3A_76 = vector.broadcast %mul3A_75 : i32 to vector<16xi32>
      %mul3A_77 = arith.muli %get3A_72, %mul3A_76 : vector<16xi32>
      %add3A_78 = arith.addi %mul3A_77, %get3A_70 : vector<16xi32>
      %swap3A = arith.index_cast %select_n3A : i32 to index
      %swap3A_79 = arith.index_cast %add3A_68 : i32 to index
      %swap3A_80 = tpu.vector_load %arg15[%swap3A, %swap3A_79] {strides = array<i32>} : memref<14x512xi32, #tpu.memory_space<vmem>>, vector<16xi32>,
      tpu.vector_store %arg15[%swap3A, %swap3A_79], %add3A_78 {strides = array<i32>} : memref<14x512xi32, #tpu.memory_space<vmem>>, vector<16xi32>,
      %mul3A_81 = arith.constant 16384 : i32
      %mul3A_82 = vector.broadcast %mul3A_81 : i32 to vector<16xi32>
      %mul3A_83 = arith.muli %get3A_74, %mul3A_82 : vector<16xi32>
      %add3A_84 = arith.addi %mul3A_83, %get3A_70 : vector<16xi32>
      %swap3A_85 = arith.index_cast %select_n3A : i32 to index
      %swap3A_86 = arith.index_cast %add3A_68 : i32 to index
      %swap3A_87 = tpu.vector_load %arg16[%swap3A_85, %swap3A_86] {strides = array<i32>} : memref<14x512xi32, #tpu.memory_space<vmem>>, vector<16xi32>,
      tpu.vector_store %arg16[%swap3A_85, %swap3A_86], %add3A_84 {strides = array<i32>} : memref<14x512xi32, #tpu.memory_space<vmem>>, vector<16xi32>,
      %mul3A_88 = arith.constant 128 : i32
      %mul3A_89 = arith.muli %select_n3A_64, %mul3A_88 : i32
      %add3A_90 = arith.constant 16 : i32
      %add3A_91 = arith.addi %mul3A_89, %add3A_90 : i32
      %get3A_92 = arith.index_cast %select_n3A : i32 to index
      %get3A_93 = arith.index_cast %add3A_91 : i32 to index
      %get3A_94 = tpu.vector_load %arg11[%get3A_92, %get3A_93] {strides = array<i32>} : memref<14x512xi32, #tpu.memory_space<vmem>>, vector<16xi32>,
      %get3A_95 = arith.index_cast %add3A_91 : i32 to index
      %get3A_96 = tpu.vector_load %arg12[%get3A_95] {strides = array<i32>} : memref<512xi32, #tpu.memory_space<vmem>>, vector<16xi32>,
      %get3A_97 = arith.index_cast %add3A_91 : i32 to index
      %get3A_98 = tpu.vector_load %arg13[%get3A_97] {strides = array<i32>} : memref<512xi32, #tpu.memory_space<vmem>>, vector<16xi32>,
      %mul3A_99 = arith.constant 16384 : i32
      %mul3A_100 = vector.broadcast %mul3A_99 : i32 to vector<16xi32>
      %mul3A_101 = arith.muli %get3A_96, %mul3A_100 : vector<16xi32>
      %add3A_102 = arith.addi %mul3A_101, %get3A_94 : vector<16xi32>
      %swap3A_103 = arith.index_cast %select_n3A : i32 to index
      %swap3A_104 = arith.index_cast %add3A_91 : i32 to index
      %swap3A_105 = tpu.vector_load %arg15[%swap3A_103, %swap3A_104] {strides = array<i32>} : memref<14x512xi32, #tpu.memory_space<vmem>>, vector<16xi32>,
      tpu.vector_store %arg15[%swap3A_103, %swap3A_104], %add3A_102 {strides = array<i32>} : memref<14x512xi32, #tpu.memory_space<vmem>>, vector<16xi32>,
      %mul3A_106 = arith.constant 16384 : i32
      %mul3A_107 = vector.broadcast %mul3A_106 : i32 to vector<16xi32>
      %mul3A_108 = arith.muli %get3A_98, %mul3A_107 : vector<16xi32>
      %add3A_109 = arith.addi %mul3A_108, %get3A_94 : vector<16xi32>
      %swap3A_110 = arith.index_cast %select_n3A : i32 to index
      %swap3A_111 = arith.index_cast %add3A_91 : i32 to index
      %swap3A_112 = tpu.vector_load %arg16[%swap3A_110, %swap3A_111] {strides = array<i32>} : memref<14x512xi32, #tpu.memory_space<vmem>>, vector<16xi32>,
      tpu.vector_store %arg16[%swap3A_110, %swap3A_111], %add3A_109 {strides = array<i32>} : memref<14x512xi32, #tpu.memory_space<vmem>>, vector<16xi32>,
      %mul3A_113 = arith.constant 128 : i32
      %mul3A_114 = arith.muli %select_n3A_64, %mul3A_113 : i32
      %add3A_115 = arith.constant 32 : i32
      %add3A_116 = arith.addi %mul3A_114, %add3A_115 : i32
      %get3A_117 = arith.index_cast %select_n3A : i32 to index
      %get3A_118 = arith.index_cast %add3A_116 : i32 to index
      %get3A_119 = tpu.vector_load %arg11[%get3A_117, %get3A_118] {strides = array<i32>} : memref<14x512xi32, #tpu.memory_space<vmem>>, vector<16xi32>,
      %get3A_120 = arith.index_cast %add3A_116 : i32 to index
      %get3A_121 = tpu.vector_load %arg12[%get3A_120] {strides = array<i32>} : memref<512xi32, #tpu.memory_space<vmem>>, vector<16xi32>,
      %get3A_122 = arith.index_cast %add3A_116 : i32 to index
      %get3A_123 = tpu.vector_load %arg13[%get3A_122] {strides = array<i32>} : memref<512xi32, #tpu.memory_space<vmem>>, vector<16xi32>,
      %mul3A_124 = arith.constant 16384 : i32
      %mul3A_125 = vector.broadcast %mul3A_124 : i32 to vector<16xi32>
      %mul3A_126 = arith.muli %get3A_121, %mul3A_125 : vector<16xi32>
      %add3A_127 = arith.addi %mul3A_126, %get3A_119 : vector<16xi32>
      %swap3A_128 = arith.index_cast %select_n3A : i32 to index
      %swap3A_129 = arith.index_cast %add3A_116 : i32 to index
      %swap3A_130 = tpu.vector_load %arg15[%swap3A_128, %swap3A_129] {strides = array<i32>} : memref<14x512xi32, #tpu.memory_space<vmem>>, vector<16xi32>,
      tpu.vector_store %arg15[%swap3A_128, %swap3A_129], %add3A_127 {strides = array<i32>} : memref<14x512xi32, #tpu.memory_space<vmem>>, vector<16xi32>,
      %mul3A_131 = arith.constant 16384 : i32
      %mul3A_132 = vector.broadcast %mul3A_131 : i32 to vector<16xi32>
      %mul3A_133 = arith.muli %get3A_123, %mul3A_132 : vector<16xi32>
      %add3A_134 = arith.addi %mul3A_133, %get3A_119 : vector<16xi32>
      %swap3A_135 = arith.index_cast %select_n3A : i32 to index
      %swap3A_136 = arith.index_cast %add3A_116 : i32 to index
      %swap3A_137 = tpu.vector_load %arg16[%swap3A_135, %swap3A_136] {strides = array<i32>} : memref<14x512xi32, #tpu.memory_space<vmem>>, vector<16xi32>,
      tpu.vector_store %arg16[%swap3A_135, %swap3A_136], %add3A_134 {strides = array<i32>} : memref<14x512xi32, #tpu.memory_space<vmem>>, vector<16xi32>,
      %mul3A_138 = arith.constant 128 : i32
      %mul3A_139 = arith.muli %select_n3A_64, %mul3A_138 : i32
      %add3A_140 = arith.constant 48 : i32
      %add3A_141 = arith.addi %mul3A_139, %add3A_140 : i32
      %get3A_142 = arith.index_cast %select_n3A : i32 to index
      %get3A_143 = arith.index_cast %add3A_141 : i32 to index
      %get3A_144 = tpu.vector_load %arg11[%get3A_142, %get3A_143] {strides = array<i32>} : memref<14x512xi32, #tpu.memory_space<vmem>>, vector<16xi32>,
      %get3A_145 = arith.index_cast %add3A_141 : i32 to index
      %get3A_146 = tpu.vector_load %arg12[%get3A_145] {strides = array<i32>} : memref<512xi32, #tpu.memory_space<vmem>>, vector<16xi32>,
      %get3A_147 = arith.index_cast %add3A_141 : i32 to index
      %get3A_148 = tpu.vector_load %arg13[%get3A_147] {strides = array<i32>} : memref<512xi32, #tpu.memory_space<vmem>>, vector<16xi32>,
      %mul3A_149 = arith.constant 16384 : i32
      %mul3A_150 = vector.broadcast %mul3A_149 : i32 to vector<16xi32>
      %mul3A_151 = arith.muli %get3A_146, %mul3A_150 : vector<16xi32>
      %add3A_152 = arith.addi %mul3A_151, %get3A_144 : vector<16xi32>
      %swap3A_153 = arith.index_cast %select_n3A : i32 to index
      %swap3A_154 = arith.index_cast %add3A_141 : i32 to index
      %swap3A_155 = tpu.vector_load %arg15[%swap3A_153, %swap3A_154] {strides = array<i32>} : memref<14x512xi32, #tpu.memory_space<vmem>>, vector<16xi32>,
      tpu.vector_store %arg15[%swap3A_153, %swap3A_154], %add3A_152 {strides = array<i32>} : memref<14x512xi32, #tpu.memory_space<vmem>>, vector<16xi32>,
      %mul3A_156 = arith.constant 16384 : i32
      %mul3A_157 = vector.broadcast %mul3A_156 : i32 to vector<16xi32>
      %mul3A_158 = arith.muli %get3A_148, %mul3A_157 : vector<16xi32>
      %add3A_159 = arith.addi %mul3A_158, %get3A_144 : vector<16xi32>
      %swap3A_160 = arith.index_cast %select_n3A : i32 to index
      %swap3A_161 = arith.index_cast %add3A_141 : i32 to index
      %swap3A_162 = tpu.vector_load %arg16[%swap3A_160, %swap3A_161] {strides = array<i32>} : memref<14x512xi32, #tpu.memory_space<vmem>>, vector<16xi32>,
      tpu.vector_store %arg16[%swap3A_160, %swap3A_161], %add3A_159 {strides = array<i32>} : memref<14x512xi32, #tpu.memory_space<vmem>>, vector<16xi32>,
      %mul3A_163 = arith.constant 128 : i32
      %mul3A_164 = arith.muli %select_n3A_64, %mul3A_163 : i32
      %add3A_165 = arith.constant 64 : i32
      %add3A_166 = arith.addi %mul3A_164, %add3A_165 : i32
      %get3A_167 = arith.index_cast %select_n3A : i32 to index
      %get3A_168 = arith.index_cast %add3A_166 : i32 to index
      %get3A_169 = tpu.vector_load %arg11[%get3A_167, %get3A_168] {strides = array<i32>} : memref<14x512xi32, #tpu.memory_space<vmem>>, vector<16xi32>,
      %get3A_170 = arith.index_cast %add3A_166 : i32 to index
      %get3A_171 = tpu.vector_load %arg12[%get3A_170] {strides = array<i32>} : memref<512xi32, #tpu.memory_space<vmem>>, vector<16xi32>,
      %get3A_172 = arith.index_cast %add3A_166 : i32 to index
      %get3A_173 = tpu.vector_load %arg13[%get3A_172] {strides = array<i32>} : memref<512xi32, #tpu.memory_space<vmem>>, vector<16xi32>,
      %mul3A_174 = arith.constant 16384 : i32
      %mul3A_175 = vector.broadcast %mul3A_174 : i32 to vector<16xi32>
      %mul3A_176 = arith.muli %get3A_171, %mul3A_175 : vector<16xi32>
      %add3A_177 = arith.addi %mul3A_176, %get3A_169 : vector<16xi32>
      %swap3A_178 = arith.index_cast %select_n3A : i32 to index
      %swap3A_179 = arith.index_cast %add3A_166 : i32 to index
      %swap3A_180 = tpu.vector_load %arg15[%swap3A_178, %swap3A_179] {strides = array<i32>} : memref<14x512xi32, #tpu.memory_space<vmem>>, vector<16xi32>,
      tpu.vector_store %arg15[%swap3A_178, %swap3A_179], %add3A_177 {strides = array<i32>} : memref<14x512xi32, #tpu.memory_space<vmem>>, vector<16xi32>,
      %mul3A_181 = arith.constant 16384 : i32
      %mul3A_182 = vector.broadcast %mul3A_181 : i32 to vector<16xi32>
      %mul3A_183 = arith.muli %get3A_173, %mul3A_182 : vector<16xi32>
      %add3A_184 = arith.addi %mul3A_183, %get3A_169 : vector<16xi32>
      %swap3A_185 = arith.index_cast %select_n3A : i32 to index
      %swap3A_186 = arith.index_cast %add3A_166 : i32 to index
      %swap3A_187 = tpu.vector_load %arg16[%swap3A_185, %swap3A_186] {strides = array<i32>} : memref<14x512xi32, #tpu.memory_space<vmem>>, vector<16xi32>,
      tpu.vector_store %arg16[%swap3A_185, %swap3A_186], %add3A_184 {strides = array<i32>} : memref<14x512xi32, #tpu.memory_space<vmem>>, vector<16xi32>,
      %mul3A_188 = arith.constant 128 : i32
      %mul3A_189 = arith.muli %select_n3A_64, %mul3A_188 : i32
      %add3A_190 = arith.constant 80 : i32
      %add3A_191 = arith.addi %mul3A_189, %add3A_190 : i32
      %get3A_192 = arith.index_cast %select_n3A : i32 to index
      %get3A_193 = arith.index_cast %add3A_191 : i32 to index
      %get3A_194 = tpu.vector_load %arg11[%get3A_192, %get3A_193] {strides = array<i32>} : memref<14x512xi32, #tpu.memory_space<vmem>>, vector<16xi32>,
      %get3A_195 = arith.index_cast %add3A_191 : i32 to index
      %get3A_196 = tpu.vector_load %arg12[%get3A_195] {strides = array<i32>} : memref<512xi32, #tpu.memory_space<vmem>>, vector<16xi32>,
      %get3A_197 = arith.index_cast %add3A_191 : i32 to index
      %get3A_198 = tpu.vector_load %arg13[%get3A_197] {strides = array<i32>} : memref<512xi32, #tpu.memory_space<vmem>>, vector<16xi32>,
      %mul3A_199 = arith.constant 16384 : i32
      %mul3A_200 = vector.broadcast %mul3A_199 : i32 to vector<16xi32>
      %mul3A_201 = arith.muli %get3A_196, %mul3A_200 : vector<16xi32>
      %add3A_202 = arith.addi %mul3A_201, %get3A_194 : vector<16xi32>
      %swap3A_203 = arith.index_cast %select_n3A : i32 to index
      %swap3A_204 = arith.index_cast %add3A_191 : i32 to index
      %swap3A_205 = tpu.vector_load %arg15[%swap3A_203, %swap3A_204] {strides = array<i32>} : memref<14x512xi32, #tpu.memory_space<vmem>>, vector<16xi32>,
      tpu.vector_store %arg15[%swap3A_203, %swap3A_204], %add3A_202 {strides = array<i32>} : memref<14x512xi32, #tpu.memory_space<vmem>>, vector<16xi32>,
      %mul3A_206 = arith.constant 16384 : i32
      %mul3A_207 = vector.broadcast %mul3A_206 : i32 to vector<16xi32>
      %mul3A_208 = arith.muli %get3A_198, %mul3A_207 : vector<16xi32>
      %add3A_209 = arith.addi %mul3A_208, %get3A_194 : vector<16xi32>
      %swap3A_210 = arith.index_cast %select_n3A : i32 to index
      %swap3A_211 = arith.index_cast %add3A_191 : i32 to index
      %swap3A_212 = tpu.vector_load %arg16[%swap3A_210, %swap3A_211] {strides = array<i32>} : memref<14x512xi32, #tpu.memory_space<vmem>>, vector<16xi32>,
      tpu.vector_store %arg16[%swap3A_210, %swap3A_211], %add3A_209 {strides = array<i32>} : memref<14x512xi32, #tpu.memory_space<vmem>>, vector<16xi32>,
      %mul3A_213 = arith.constant 128 : i32
      %mul3A_214 = arith.muli %select_n3A_64, %mul3A_213 : i32
      %add3A_215 = arith.constant 96 : i32
      %add3A_216 = arith.addi %mul3A_214, %add3A_215 : i32
      %get3A_217 = arith.index_cast %select_n3A : i32 to index
      %get3A_218 = arith.index_cast %add3A_216 : i32 to index
      %get3A_219 = tpu.vector_load %arg11[%get3A_217, %get3A_218] {strides = array<i32>} : memref<14x512xi32, #tpu.memory_space<vmem>>, vector<16xi32>,
      %get3A_220 = arith.index_cast %add3A_216 : i32 to index
      %get3A_221 = tpu.vector_load %arg12[%get3A_220] {strides = array<i32>} : memref<512xi32, #tpu.memory_space<vmem>>, vector<16xi32>,
      %get3A_222 = arith.index_cast %add3A_216 : i32 to index
      %get3A_223 = tpu.vector_load %arg13[%get3A_222] {strides = array<i32>} : memref<512xi32, #tpu.memory_space<vmem>>, vector<16xi32>,
      %mul3A_224 = arith.constant 16384 : i32
      %mul3A_225 = vector.broadcast %mul3A_224 : i32 to vector<16xi32>
      %mul3A_226 = arith.muli %get3A_221, %mul3A_225 : vector<16xi32>
      %add3A_227 = arith.addi %mul3A_226, %get3A_219 : vector<16xi32>
      %swap3A_228 = arith.index_cast %select_n3A : i32 to index
      %swap3A_229 = arith.index_cast %add3A_216 : i32 to index
      %swap3A_230 = tpu.vector_load %arg15[%swap3A_228, %swap3A_229] {strides = array<i32>} : memref<14x512xi32, #tpu.memory_space<vmem>>, vector<16xi32>,
      tpu.vector_store %arg15[%swap3A_228, %swap3A_229], %add3A_227 {strides = array<i32>} : memref<14x512xi32, #tpu.memory_space<vmem>>, vector<16xi32>,
      %mul3A_231 = arith.constant 16384 : i32
      %mul3A_232 = vector.broadcast %mul3A_231 : i32 to vector<16xi32>
      %mul3A_233 = arith.muli %get3A_223, %mul3A_232 : vector<16xi32>
      %add3A_234 = arith.addi %mul3A_233, %get3A_219 : vector<16xi32>
      %swap3A_235 = arith.index_cast %select_n3A : i32 to index
      %swap3A_236 = arith.index_cast %add3A_216 : i32 to index
      %swap3A_237 = tpu.vector_load %arg16[%swap3A_235, %swap3A_236] {strides = array<i32>} : memref<14x512xi32, #tpu.memory_space<vmem>>, vector<16xi32>,
      tpu.vector_store %arg16[%swap3A_235, %swap3A_236], %add3A_234 {strides = array<i32>} : memref<14x512xi32, #tpu.memory_space<vmem>>, vector<16xi32>,
      %mul3A_238 = arith.constant 128 : i32
      %mul3A_239 = arith.muli %select_n3A_64, %mul3A_238 : i32
      %add3A_240 = arith.constant 112 : i32
      %add3A_241 = arith.addi %mul3A_239, %add3A_240 : i32
      %get3A_242 = arith.index_cast %select_n3A : i32 to index
      %get3A_243 = arith.index_cast %add3A_241 : i32 to index
      %get3A_244 = tpu.vector_load %arg11[%get3A_242, %get3A_243] {strides = array<i32>} : memref<14x512xi32, #tpu.memory_space<vmem>>, vector<16xi32>,
      %get3A_245 = arith.index_cast %add3A_241 : i32 to index
      %get3A_246 = tpu.vector_load %arg12[%get3A_245] {strides = array<i32>} : memref<512xi32, #tpu.memory_space<vmem>>, vector<16xi32>,
      %get3A_247 = arith.index_cast %add3A_241 : i32 to index
      %get3A_248 = tpu.vector_load %arg13[%get3A_247] {strides = array<i32>} : memref<512xi32, #tpu.memory_space<vmem>>, vector<16xi32>,
      %mul3A_249 = arith.constant 16384 : i32
      %mul3A_250 = vector.broadcast %mul3A_249 : i32 to vector<16xi32>
      %mul3A_251 = arith.muli %get3A_246, %mul3A_250 : vector<16xi32>
      %add3A_252 = arith.addi %mul3A_251, %get3A_244 : vector<16xi32>
      %swap3A_253 = arith.index_cast %select_n3A : i32 to index
      %swap3A_254 = arith.index_cast %add3A_241 : i32 to index
      %swap3A_255 = tpu.vector_load %arg15[%swap3A_253, %swap3A_254] {strides = array<i32>} : memref<14x512xi32, #tpu.memory_space<vmem>>, vector<16xi32>,
      tpu.vector_store %arg15[%swap3A_253, %swap3A_254], %add3A_252 {strides = array<i32>} : memref<14x512xi32, #tpu.memory_space<vmem>>, vector<16xi32>,
      %mul3A_256 = arith.constant 16384 : i32
      %mul3A_257 = vector.broadcast %mul3A_256 : i32 to vector<16xi32>
      %mul3A_258 = arith.muli %get3A_248, %mul3A_257 : vector<16xi32>
      %add3A_259 = arith.addi %mul3A_258, %get3A_244 : vector<16xi32>
      %swap3A_260 = arith.index_cast %select_n3A : i32 to index
      %swap3A_261 = arith.index_cast %add3A_241 : i32 to index
      %swap3A_262 = tpu.vector_load %arg16[%swap3A_260, %swap3A_261] {strides = array<i32>} : memref<14x512xi32, #tpu.memory_space<vmem>>, vector<16xi32>,
      tpu.vector_store %arg16[%swap3A_260, %swap3A_261], %add3A_259 {strides = array<i32>} : memref<14x512xi32, #tpu.memory_space<vmem>>, vector<16xi32>,
      %mul3A_263 = arith.constant 128 : i32
      %mul3A_264 = arith.muli %select_n3A_64, %mul3A_263 : i32
      %mul3A_265 = arith.constant 128 : i32
      %mul3A_266 = arith.muli %select_n3A_64, %mul3A_265 : i32
      %dma_start3A_267 = tpu.memref_slice %arg17[%select_n3A, %mul3A_266] : memref<14x512xf32, #tpu.memory_space<vmem>> -> memref<1x128xf32, #tpu.memory_space<vmem>>
      %dma_start3A_268 = tpu.memref_squeeze %dma_start3A_267 : memref<1x128xf32, #tpu.memory_space<vmem>> -> memref<128xf32, #tpu.memory_space<vmem>>
      %dma_start3A_269 = tpu.memref_slice %arg15[%select_n3A, %mul3A_264] : memref<14x512xi32, #tpu.memory_space<vmem>> -> memref<1x128xi32, #tpu.memory_space<vmem>>
      %dma_start3A_270 = tpu.memref_squeeze %dma_start3A_269 : memref<1x128xi32, #tpu.memory_space<vmem>> -> memref<128xi32, #tpu.memory_space<vmem>>
      %dma_start3A_271 = arith.constant 0 : i32
      %dma_start3A_272 = tpu.memref_slice %arg6[%dma_start3A_271] : memref<8388608xf32, #tpu.memory_space<hbm>> -> memref<8388608xf32, #tpu.memory_space<hbm>>
      tpu.enqueue_indirect_dma source(%dma_start3A_272 : memref<8388608xf32, #tpu.memory_space<hbm>>) target(%dma_start3A_268 : memref<128xf32, #tpu.memory_space<vmem>>) offsets(%dma_start3A_270 : memref<128xi32, #tpu.memory_space<vmem>>) semaphore(%arg20 : memref<!tpu.dma_semaphore, #tpu.memory_space<semaphore_mem>>)
      %mul3A_273 = arith.constant 128 : i32
      %mul3A_274 = arith.muli %select_n3A_64, %mul3A_273 : i32
      %mul3A_275 = arith.constant 128 : i32
      %mul3A_276 = arith.muli %select_n3A_64, %mul3A_275 : i32
      %dma_start3A_277 = tpu.memref_slice %arg18[%select_n3A, %mul3A_276] : memref<14x512xf32, #tpu.memory_space<vmem>> -> memref<1x128xf32, #tpu.memory_space<vmem>>
      %dma_start3A_278 = tpu.memref_squeeze %dma_start3A_277 : memref<1x128xf32, #tpu.memory_space<vmem>> -> memref<128xf32, #tpu.memory_space<vmem>>
      %dma_start3A_279 = tpu.memref_slice %arg16[%select_n3A, %mul3A_274] : memref<14x512xi32, #tpu.memory_space<vmem>> -> memref<1x128xi32, #tpu.memory_space<vmem>>
      %dma_start3A_280 = tpu.memref_squeeze %dma_start3A_279 : memref<1x128xi32, #tpu.memory_space<vmem>> -> memref<128xi32, #tpu.memory_space<vmem>>
      %dma_start3A_281 = arith.constant 0 : i32
      %dma_start3A_282 = tpu.memref_slice %arg7[%dma_start3A_281] : memref<16777216xf32, #tpu.memory_space<hbm>> -> memref<16777216xf32, #tpu.memory_space<hbm>>
      tpu.enqueue_indirect_dma source(%dma_start3A_282 : memref<16777216xf32, #tpu.memory_space<hbm>>) target(%dma_start3A_278 : memref<128xf32, #tpu.memory_space<vmem>>) offsets(%dma_start3A_280 : memref<128xi32, #tpu.memory_space<vmem>>) semaphore(%arg20 : memref<!tpu.dma_semaphore, #tpu.memory_space<semaphore_mem>>)
    }
    %scan3A_21 = arith.constant 56 : i32
    %scan3A_22 = arith.constant 0 : i32
    %scan3A_23 = arith.constant 0 : i32
    %scan3A_24 = arith.constant 448 : i32
    %scan3A_25 = arith.addi %scan3A_23, %scan3A_24 : i32
    %scan3A_26 = arith.constant 1 : i32
    scf.for %scan3A_34 = %scan3A_23 to %scan3A_25 step %scan3A_26  : i32 {
      %jit3A = arith.constant 32 : i32
      %div3A = arith.divsi %scan3A_34, %jit3A : i32
      %sign3A = arith.constant 0 : i32
      %sign3A_35 = arith.cmpi sgt, %scan3A_34, %sign3A : i32
      %sign3A_36 = arith.extui %sign3A_35 : i1 to i32
      %sign3A_37 = arith.constant 0 : i32
      %sign3A_38 = arith.cmpi slt, %scan3A_34, %sign3A_37 : i32
      %sign3A_39 = arith.extui %sign3A_38 : i1 to i32
      %sign3A_40 = arith.subi %sign3A_36, %sign3A_39 : i32
      %sign3A_41 = arith.constant 0 : i32
      %sign3A_42 = arith.cmpi sgt, %jit3A, %sign3A_41 : i32
      %sign3A_43 = arith.extui %sign3A_42 : i1 to i32
      %sign3A_44 = arith.constant 0 : i32
      %sign3A_45 = arith.cmpi slt, %jit3A, %sign3A_44 : i32
      %sign3A_46 = arith.extui %sign3A_45 : i1 to i32
      %sign3A_47 = arith.subi %sign3A_43, %sign3A_46 : i32
      %ne3A = arith.cmpi ne, %sign3A_40, %sign3A_47 : i32
      %rem3A = arith.remsi %scan3A_34, %jit3A : i32
      %ne3A_48 = arith.constant 0 : i32
      %ne3A_49 = arith.cmpi ne, %rem3A, %ne3A_48 : i32
      %and3A = arith.andi %ne3A, %ne3A_49 : i1
      %sub3A = arith.constant 1 : i32
      %sub3A_50 = arith.subi %div3A, %sub3A : i32
      %select_n3A = arith.select %and3A, %sub3A_50, %div3A : i32
      %jit3A_51 = arith.constant 32 : i32
      %eq3A = arith.constant 0 : i32
      %eq3A_52 = arith.cmpi eq, %jit3A_51, %eq3A : i32
      %jit3A_53 = arith.constant 1 : i32
      %select_n3A_54 = arith.select %eq3A_52, %jit3A_53, %jit3A_51 : i32
      %rem3A_55 = arith.remsi %scan3A_34, %select_n3A_54 : i32
      %ne3A_56 = arith.constant 0 : i32
      %ne3A_57 = arith.cmpi ne, %rem3A_55, %ne3A_56 : i32
      %lt3A = arith.constant 0 : i32
      %lt3A_58 = arith.cmpi slt, %rem3A_55, %lt3A : i32
      %lt3A_59 = arith.constant 0 : i32
      %lt3A_60 = arith.cmpi slt, %select_n3A_54, %lt3A_59 : i32
      %ne3A_61 = arith.xori %lt3A_58, %lt3A_60 : i1
      %and3A_62 = arith.andi %ne3A_61, %ne3A_57 : i1
      %add3A_63 = arith.addi %rem3A_55, %select_n3A_54 : i32
      %select_n3A_64 = arith.select %and3A_62, %add3A_63, %rem3A_55 : i32
      %mul3A_65 = arith.constant 16 : i32
      %mul3A_66 = arith.muli %select_n3A_64, %mul3A_65 : i32
      %get3A = arith.index_cast %select_n3A : i32 to index
      %get3A_67 = arith.index_cast %mul3A_66 : i32 to index
      %get3A_68 = tpu.vector_load %arg11[%get3A, %get3A_67] {strides = array<i32>} : memref<14x512xi32, #tpu.memory_space<vmem>>, vector<16xi32>,
      %gather3A = tpu.vector_load_idx %arg14[%get3A_68] : memref<16384xf32, #tpu.memory_space<vmem>>[vector<16xi32>], vector<16xf32>,
      %swap3A = arith.index_cast %select_n3A : i32 to index
      %swap3A_69 = arith.index_cast %mul3A_66 : i32 to index
      %swap3A_70 = tpu.vector_load %arg19[%swap3A, %swap3A_69] {strides = array<i32>} : memref<14x512xf32, #tpu.memory_space<vmem>>, vector<16xf32>,
      tpu.vector_store %arg19[%swap3A, %swap3A_69], %gather3A {strides = array<i32>} : memref<14x512xf32, #tpu.memory_space<vmem>>, vector<16xf32>,
    }
    %scan3A_27 = arith.constant 448 : i32
    "tpu.region"() ({
      %run_scoped3A = tpu.sem_alloc : memref<!tpu.dma_semaphore, #tpu.memory_space<semaphore_mem>>
      %dma_start3A_34 = arith.constant 0 : i32
      %dma_start3A_35 = tpu.memref_slice %arg8[%dma_start3A_34, %mul3A_2] : memref<14x16384xf32, #tpu.memory_space<hbm>> -> memref<14x512xf32, #tpu.memory_space<hbm>>
      %dma_start3A_36 = arith.constant 0 : i32
      %dma_start3A_37 = tpu.memref_slice %arg8[%dma_start3A_36, %mul3A_2] : memref<14x16384xf32, #tpu.memory_space<hbm>> -> memref<14x512xf32, #tpu.memory_space<hbm>>
      tpu.enqueue_dma source(%arg19 : memref<14x512xf32, #tpu.memory_space<vmem>>) target(%dma_start3A_37 : memref<14x512xf32, #tpu.memory_space<hbm>>) target_semaphore(%run_scoped3A : memref<!tpu.dma_semaphore, #tpu.memory_space<semaphore_mem>>)
      %dma_wait3A_38 = arith.constant 0 : i32
      %dma_wait3A_39 = tpu.memref_slice %arg8[%dma_wait3A_38, %mul3A_2] : memref<14x16384xf32, #tpu.memory_space<hbm>> -> memref<14x512xf32, #tpu.memory_space<hbm>>
      %dma_wait3A_40 = arith.constant 0 : i32
      %dma_wait3A_41 = tpu.memref_slice %arg8[%dma_wait3A_40, %mul3A_2] : memref<14x16384xf32, #tpu.memory_space<hbm>> -> memref<14x512xf32, #tpu.memory_space<hbm>>
      tpu.wait_dma2 semaphore(%run_scoped3A : memref<!tpu.dma_semaphore, #tpu.memory_space<semaphore_mem>>) src(%arg19 : memref<14x512xf32, #tpu.memory_space<vmem>>) dst(%dma_wait3A_41 : memref<14x512xf32, #tpu.memory_space<hbm>>)
      tpu.yield
    }) : () -> ()
    %scan3A_28 = arith.constant 0 : i32
    %scan3A_29 = arith.constant 0 : i32
    %scan3A_30 = arith.constant 14 : i32
    %scan3A_31 = arith.addi %scan3A_29, %scan3A_30 : i32
    %scan3A_32 = arith.constant 1 : i32
    scf.for %scan3A_34 = %scan3A_29 to %scan3A_31 step %scan3A_32  : i32 {
      %dma_wait3A_35 = arith.constant 0 : i32
      %dma_wait3A_36 = tpu.memref_slice %arg17[%scan3A_34, %dma_wait3A_35] : memref<14x512xf32, #tpu.memory_space<vmem>> -> memref<1x512xf32, #tpu.memory_space<vmem>>
      %dma_wait3A_37 = tpu.memref_squeeze %dma_wait3A_36 : memref<1x512xf32, #tpu.memory_space<vmem>> -> memref<512xf32, #tpu.memory_space<vmem>>
      %dma_wait3A_38 = arith.constant 0 : i32
      %dma_wait3A_39 = tpu.memref_slice %arg6[%dma_wait3A_38] : memref<8388608xf32, #tpu.memory_space<hbm>> -> memref<512xf32, #tpu.memory_space<hbm>>
      %dma_wait3A_40 = arith.constant 0 : i32
      %dma_wait3A_41 = tpu.memref_slice %arg17[%scan3A_34, %dma_wait3A_40] : memref<14x512xf32, #tpu.memory_space<vmem>> -> memref<1x512xf32, #tpu.memory_space<vmem>>
      %dma_wait3A_42 = tpu.memref_squeeze %dma_wait3A_41 : memref<1x512xf32, #tpu.memory_space<vmem>> -> memref<512xf32, #tpu.memory_space<vmem>>
      %dma_wait3A_43 = arith.constant 0 : i32
      %dma_wait3A_44 = tpu.memref_slice %arg6[%dma_wait3A_43] : memref<8388608xf32, #tpu.memory_space<hbm>> -> memref<512xf32, #tpu.memory_space<hbm>>
      tpu.wait_dma2 semaphore(%arg20 : memref<!tpu.dma_semaphore, #tpu.memory_space<semaphore_mem>>) src(%dma_wait3A_44 : memref<512xf32, #tpu.memory_space<hbm>>) dst(%dma_wait3A_42 : memref<512xf32, #tpu.memory_space<vmem>>)
      %dma_wait3A_45 = arith.constant 0 : i32
      %dma_wait3A_46 = tpu.memref_slice %arg18[%scan3A_34, %dma_wait3A_45] : memref<14x512xf32, #tpu.memory_space<vmem>> -> memref<1x512xf32, #tpu.memory_space<vmem>>
      %dma_wait3A_47 = tpu.memref_squeeze %dma_wait3A_46 : memref<1x512xf32, #tpu.memory_space<vmem>> -> memref<512xf32, #tpu.memory_space<vmem>>
      %dma_wait3A_48 = arith.constant 0 : i32
      %dma_wait3A_49 = tpu.memref_slice %arg7[%dma_wait3A_48] : memref<16777216xf32, #tpu.memory_space<hbm>> -> memref<512xf32, #tpu.memory_space<hbm>>
      %dma_wait3A_50 = arith.constant 0 : i32
      %dma_wait3A_51 = tpu.memref_slice %arg18[%scan3A_34, %dma_wait3A_50] : memref<14x512xf32, #tpu.memory_space<vmem>> -> memref<1x512xf32, #tpu.memory_space<vmem>>
      %dma_wait3A_52 = tpu.memref_squeeze %dma_wait3A_51 : memref<1x512xf32, #tpu.memory_space<vmem>> -> memref<512xf32, #tpu.memory_space<vmem>>
      %dma_wait3A_53 = arith.constant 0 : i32
      %dma_wait3A_54 = tpu.memref_slice %arg7[%dma_wait3A_53] : memref<16777216xf32, #tpu.memory_space<hbm>> -> memref<512xf32, #tpu.memory_space<hbm>>
      tpu.wait_dma2 semaphore(%arg20 : memref<!tpu.dma_semaphore, #tpu.memory_space<semaphore_mem>>) src(%dma_wait3A_54 : memref<512xf32, #tpu.memory_space<hbm>>) dst(%dma_wait3A_52 : memref<512xf32, #tpu.memory_space<vmem>>)
    }
    %scan3A_33 = arith.constant 14 : i32
    "tpu.region"() ({
      %run_scoped3A = tpu.sem_alloc : memref<!tpu.dma_semaphore, #tpu.memory_space<semaphore_mem>>
      %dma_start3A_34 = arith.constant 0 : i32
      %dma_start3A_35 = tpu.memref_slice %arg9[%dma_start3A_34, %mul3A_2] : memref<14x16384xf32, #tpu.memory_space<hbm>> -> memref<14x512xf32, #tpu.memory_space<hbm>>
      %dma_start3A_36 = arith.constant 0 : i32
      %dma_start3A_37 = tpu.memref_slice %arg9[%dma_start3A_36, %mul3A_2] : memref<14x16384xf32, #tpu.memory_space<hbm>> -> memref<14x512xf32, #tpu.memory_space<hbm>>
      tpu.enqueue_dma source(%arg17 : memref<14x512xf32, #tpu.memory_space<vmem>>) target(%dma_start3A_37 : memref<14x512xf32, #tpu.memory_space<hbm>>) target_semaphore(%run_scoped3A : memref<!tpu.dma_semaphore, #tpu.memory_space<semaphore_mem>>)
      %dma_wait3A_38 = arith.constant 0 : i32
      %dma_wait3A_39 = tpu.memref_slice %arg9[%dma_wait3A_38, %mul3A_2] : memref<14x16384xf32, #tpu.memory_space<hbm>> -> memref<14x512xf32, #tpu.memory_space<hbm>>
      %dma_wait3A_40 = arith.constant 0 : i32
      %dma_wait3A_41 = tpu.memref_slice %arg9[%dma_wait3A_40, %mul3A_2] : memref<14x16384xf32, #tpu.memory_space<hbm>> -> memref<14x512xf32, #tpu.memory_space<hbm>>
      tpu.wait_dma2 semaphore(%run_scoped3A : memref<!tpu.dma_semaphore, #tpu.memory_space<semaphore_mem>>) src(%arg17 : memref<14x512xf32, #tpu.memory_space<vmem>>) dst(%dma_wait3A_41 : memref<14x512xf32, #tpu.memory_space<hbm>>)
      tpu.yield
    }) : () -> ()
    "tpu.region"() ({
      %run_scoped3A = tpu.sem_alloc : memref<!tpu.dma_semaphore, #tpu.memory_space<semaphore_mem>>
      %dma_start3A_34 = arith.constant 0 : i32
      %dma_start3A_35 = tpu.memref_slice %arg10[%dma_start3A_34, %mul3A_2] : memref<14x16384xf32, #tpu.memory_space<hbm>> -> memref<14x512xf32, #tpu.memory_space<hbm>>
      %dma_start3A_36 = arith.constant 0 : i32
      %dma_start3A_37 = tpu.memref_slice %arg10[%dma_start3A_36, %mul3A_2] : memref<14x16384xf32, #tpu.memory_space<hbm>> -> memref<14x512xf32, #tpu.memory_space<hbm>>
      tpu.enqueue_dma source(%arg18 : memref<14x512xf32, #tpu.memory_space<vmem>>) target(%dma_start3A_37 : memref<14x512xf32, #tpu.memory_space<hbm>>) target_semaphore(%run_scoped3A : memref<!tpu.dma_semaphore, #tpu.memory_space<semaphore_mem>>)
      %dma_wait3A_38 = arith.constant 0 : i32
      %dma_wait3A_39 = tpu.memref_slice %arg10[%dma_wait3A_38, %mul3A_2] : memref<14x16384xf32, #tpu.memory_space<hbm>> -> memref<14x512xf32, #tpu.memory_space<hbm>>
      %dma_wait3A_40 = arith.constant 0 : i32
      %dma_wait3A_41 = tpu.memref_slice %arg10[%dma_wait3A_40, %mul3A_2] : memref<14x16384xf32, #tpu.memory_space<hbm>> -> memref<14x512xf32, #tpu.memory_space<hbm>>
      tpu.wait_dma2 semaphore(%run_scoped3A : memref<!tpu.dma_semaphore, #tpu.memory_space<semaphore_mem>>) src(%arg18 : memref<14x512xf32, #tpu.memory_space<vmem>>) dst(%dma_wait3A_41 : memref<14x512xf32, #tpu.memory_space<hbm>>)
      tpu.yield
    }) : () -> ()
    return
  }
}

module attributes {stable_mosaic.version = 14 : i64} {
  func.func @_tc_finish_body(%arg0: i32, %arg1: memref<14x2048xf32, #tpu.memory_space<vmem>>, %arg2: memref<14x2048xf32, #tpu.memory_space<vmem>>, %arg3: memref<14x2048xf32, #tpu.memory_space<vmem>>, %arg4: memref<14x2048xf32, #tpu.memory_space<vmem>>, %arg5: memref<14x2048xi32, #tpu.memory_space<vmem>>, %arg6: memref<2048xf32, #tpu.memory_space<vmem>>) attributes {dimension_semantics = [#tpu.dimension_semantics<arbitrary>], iteration_bounds = array<i64: 8>, scalar_prefetch = 0 : i64, scratch_operands = 0 : i64, tpu.core_type = #tpu.core_type<tc>, window_params = [{transform_indices = @transform_0, window_bounds = array<i64: 14, 2048>}, {transform_indices = @transform_1, window_bounds = array<i64: 14, 2048>}, {transform_indices = @transform_2, window_bounds = array<i64: 14, 2048>}, {transform_indices = @transform_3, window_bounds = array<i64: 14, 2048>}, {transform_indices = @transform_4, window_bounds = array<i64: 14, 2048>}, {transform_indices = @transform_5, window_bounds = array<i64: 2048>}]} {
    %get3A = arith.constant 0 : index
    %get3A_0 = arith.constant 0 : index
    %get3A_1 = vector.load %arg4[%get3A, %get3A_0] : memref<14x2048xf32, #tpu.memory_space<vmem>>, vector<14x2048xf32>
    %get3A_2 = arith.constant 0 : index
    %get3A_3 = arith.constant 0 : index
    %get3A_4 = vector.load %arg1[%get3A_2, %get3A_3] : memref<14x2048xf32, #tpu.memory_space<vmem>>, vector<14x2048xf32>
    %get3A_5 = arith.constant 0 : index
    %get3A_6 = arith.constant 0 : index
    %get3A_7 = vector.load %arg2[%get3A_5, %get3A_6] : memref<14x2048xf32, #tpu.memory_space<vmem>>, vector<14x2048xf32>
    %add3A = arith.addf %get3A_4, %get3A_7 : vector<14x2048xf32>
    %get3A_8 = arith.constant 0 : index
    %get3A_9 = arith.constant 0 : index
    %get3A_10 = vector.load %arg3[%get3A_8, %get3A_9] : memref<14x2048xf32, #tpu.memory_space<vmem>>, vector<14x2048xf32>
    %add3A_11 = arith.addf %add3A, %get3A_10 : vector<14x2048xf32>
    %mul3A = arith.mulf %get3A_1, %add3A_11 : vector<14x2048xf32>
    %min3A = arith.constant 0.000000e+00 : f32
    %min3A_12 = vector.broadcast %min3A : f32 to vector<14x2048xf32>
    %min3A_13 = arith.minimumf %mul3A, %min3A_12 : vector<14x2048xf32>
    %abs3A = math.absf %mul3A : vector<14x2048xf32>
    %neg3A = arith.constant 0.000000e+00 : f32
    %neg3A_14 = vector.broadcast %neg3A : f32 to vector<14x2048xf32>
    %neg3A_15 = arith.subf %neg3A_14, %abs3A : vector<14x2048xf32>
    %exp3A = math.exp %neg3A_15 : vector<14x2048xf32>
    %add3A_16 = arith.constant 1.000000e+00 : f32
    %add3A_17 = vector.broadcast %add3A_16 : f32 to vector<14x2048xf32>
    %add3A_18 = arith.addf %add3A_17, %exp3A : vector<14x2048xf32>
    %log3A = math.log %add3A_18 : vector<14x2048xf32>
    %sub3A = arith.subf %min3A_13, %log3A : vector<14x2048xf32>
    %get3A_19 = arith.constant 0 : index
    %get3A_20 = arith.constant 0 : index
    %get3A_21 = vector.load %arg5[%get3A_19, %get3A_20] : memref<14x2048xi32, #tpu.memory_space<vmem>>, vector<14x2048xi32>
    %ne3A = arith.constant 16383 : i32
    %ne3A_22 = vector.broadcast %ne3A : i32 to vector<14x2048xi32>
    %ne3A_23 = arith.cmpi ne, %get3A_21, %ne3A_22 : vector<14x2048xi32>
    %convert_element_type3A = arith.extui %ne3A_23 : vector<14x2048xi1> to vector<14x2048xi32>
    %convert_element_type3A_24 = arith.sitofp %convert_element_type3A : vector<14x2048xi32> to vector<14x2048xf32>
    %mul3A_25 = arith.mulf %sub3A, %convert_element_type3A_24 : vector<14x2048xf32>
    %reduce_sum3A = arith.constant dense<0.000000e+00> : vector<2048xf32>
    %reduce_sum3A_26 = vector.multi_reduction <add>, %mul3A_25, %reduce_sum3A [0] : vector<14x2048xf32> to vector<2048xf32>
    %swap3A = arith.constant 0 : index
    %swap3A_27 = vector.load %arg6[%swap3A] : memref<2048xf32, #tpu.memory_space<vmem>>, vector<2048xf32>
    tpu.vector_store %arg6[%swap3A], %reduce_sum3A_26 {strides = array<i32>} : memref<2048xf32, #tpu.memory_space<vmem>>, vector<2048xf32>,
    return
  }
  func.func @transform_0(%arg0: i32) -> (i32, i32) {
    %c0_i32 = arith.constant 0 : i32
    %c0_i32_0 = arith.constant 0 : i32
    return %c0_i32, %arg0 : i32, i32
  }
  func.func @transform_1(%arg0: i32) -> (i32, i32) {
    %c0_i32 = arith.constant 0 : i32
    %c0_i32_0 = arith.constant 0 : i32
    return %c0_i32, %arg0 : i32, i32
  }
  func.func @transform_2(%arg0: i32) -> (i32, i32) {
    %c0_i32 = arith.constant 0 : i32
    %c0_i32_0 = arith.constant 0 : i32
    return %c0_i32, %arg0 : i32, i32
  }
  func.func @transform_3(%arg0: i32) -> (i32, i32) {
    %c0_i32 = arith.constant 0 : i32
    %c0_i32_0 = arith.constant 0 : i32
    return %c0_i32, %arg0 : i32, i32
  }
  func.func @transform_4(%arg0: i32) -> (i32, i32) {
    %c0_i32 = arith.constant 0 : i32
    %c0_i32_0 = arith.constant 0 : i32
    return %c0_i32, %arg0 : i32, i32
  }
  func.func @transform_5(%arg0: i32) -> i32 {
    %c0_i32 = arith.constant 0 : i32
    return %arg0 : i32
  }
}

</mosaic_0001>

<sc_bundles>
// kernel: kernel.4.cloned.1.call-start
scs
__scs_entry_jumppad:
0x0: {  	(pc) =	sbr.rel $0x88, $3  }
0x1: {  	(tag) =	ssettag $0x0;
	lr =	simm.s32 $0x1  }
0x2: {  	[smem:$0x3F9A] =	sst lr;
	_ =	strace $0xD0000000  }
0x3: {  	_ = 	snop  }
0x4: {  	_ = 	snop  }
0x5: {  	_ = 	snop  }
0x6: {  	_ = 	snop  }
0x7: {  	_ = 	snop  }
__scs_overlays_trampoline_lowered:
0x8: {  	[smem:$0x3FA9] =	sst s0  }
0x9: {  	[smem:$0x3FAA] =	sst s1  }
0xa: {  	[smem:$0x3FAB] =	sst s2  }
0xb: {  	[smem:$0x3FAC] =	sst s3  }
0xc: {  	[smem:$0x3FAD] =	sst s4  }
0xd: {  	[smem:$0x3FAE] =	sst s5  }
0xe: {  	[smem:$0x3FAF] =	sst s6  }
0xf: {  	[smem:$0x3FB0] =	sst s7  }
0x10: {  	[smem:$0x3FB1] =	sst s8  }
0x11: {  	[smem:$0x3FB2] =	sst s9;
	s0 =	simm.s32 @!p0 $0x0  }
0x12: {  	s1 =	sld [smem:$0x3F98];
	s0 =	simm.s32 @p0 $0x1  }
0x13: {  	[smem:$0x3FB3] =	sst s0;
	s0 =	simm.s32 @!p1 $0x0  }
0x14: {  	s2 =	sld [smem:$0x3F97];
	s0 =	simm.s32 @p1 $0x1  }
0x15: {  	[smem:$0x3FB4] =	sst s0;
	s0 =	simm.s32 @!p2 $0x0  }
0x16: {  	s3 =	sld [smem:$0x3FDB];
	s0 =	simm.s32 @p2 $0x1  }
0x17: {  	s4 =	simm.s32 $0x1BF5;
	[smem:$0x3FB6] =	sst s0  }
0x18: {  	s0 =	sld [smem:$0x3F99];
	_ =	swait.ge [sflag:s4], $0x0  }
0x19: {  	s7 =	sld [smem:$0x3F9A]  }
0x1a: {  	s8 =	sadd.s32 $0xFFFFE003, lr  }
0x1b: {  	s9 =	sadd.s32 $0xFFFFFEF7, lr;
	s5 =	simm.s32 $0xFFFFFFFF;
	p2 =	slt.u32 s8, $0xFFFFF086  }
0x1c: {  	p1 =	slt.u32 s9, $0xF7A;
	s5 =	simm.s32 @!p2 $0x0  }
0x1d: {  	s5 =	simm.s32 @p1 $0x1;
	p0 =	seq.s32 s7, s2  }
0x1e: {  	s7 =	smul.u32 @!p0 $0xF7A, s2;
	p2 =	seq.s32 @!p0 s5, $0x0  }
0x1f: {  	s9 =	smul.u32 $0xF7A, s1;
	s8 =	simm.s32 @!p0 $0x1BF5;
	p2 =	por !p2, p0  }
0x20: {  	[sflag:s8] =	ssyncset.s32 @!p0 $0xFFFFF086;
	s6 =	sadd.s32 @!p0 s3, s7;
	s7 =	simm.s32 @!p0 $0x108  }
0x21: {  	s3 =	sadd.s32 s3, s9;
	s6 =	sadd.s32 @!p0 $0x88, s6;
	s7 =	simm.s32 @p2 $0x1082  }
0x22: {  	[simem:s7], [sflag:s8] =	dma.local @!p0 [hbm:s6], $0xF7A  }
0x23: {  	s9 =	sor.u32 $0xD0000000, s2;
	s6 =	simm.s32 $0x108;
	_ =	swait.ge @!p0 [sflag:s8], $0x0  }
0x24: {  	s3 =	sadd.s32 $0x88, s3;
	s6 =	simm.s32 @!p1 $0x1082;
	[sflag:s4] =	ssyncset.s32 $0xFFFFF086  }
0x25: {  	[simem:s6], [sflag:s4] =	dma.local [hbm:s3], $0xF7A  }
0x26: {  	[smem:$0x3F9A] =	sst s1;
	(tag) =	ssettag s2;
	_ =	strace s9  }
0x27: {  	s1 =	sld [smem:$0x3FAA]  }
0x28: {  	s2 =	sld [smem:$0x3FAB]  }
0x29: {  	s4 =	sld [smem:$0x3FAD]  }
0x2a: {  	p0 =	seq.s32 s5, $0x0;
	s5 =	sld [smem:$0x3FAE]  }
0x2b: {  	s6 =	sld [smem:$0x3FAF]  }
0x2c: {  	s7 =	sld [smem:$0x3FB0]  }
0x2d: {  	s3 =	simm.s32 $0x108;
	s8 =	sld [smem:$0x3FB1]  }
0x2e: {  	s3 =	simm.s32 @!p0 $0x1082;
	s9 =	sld [smem:$0x3FB2]  }
0x2f: {  	lr =	sadd.s32 s0, s3;
	s0 =	sld [smem:$0x3FA9]  }
0x30: {  	s3 =	sld [smem:$0x3FAC]  }
0x31: {  	[smem:$0x3FB5] =	sst s10  }
0x32: {  	s10 =	sld [smem:$0x3FB3];
	_ =	sdelay $0x3  }
0x33: {  	p0 =	seq.s32 s10, $0x1;
	s10 =	sld [smem:$0x3FB5];
	_ =	sdelay $0x3  }
0x34: {  	[smem:$0x3FB5] =	sst s10  }
0x35: {  	s10 =	sld [smem:$0x3FB4];
	_ =	sdelay $0x3  }
0x36: {  	p1 =	seq.s32 s10, $0x1;
	s10 =	sld [smem:$0x3FB5];
	_ =	sdelay $0x3  }
0x37: {  	[smem:$0x3FB5] =	sst s10  }
0x38: {  	s10 =	sld [smem:$0x3FB6]  }
0x39: {  	_ = 	snop;
	(pc) =	sbr.ind lr, $3  }
0x3a: {  	_ = 	snop  }
0x3b: {  	_ = 	snop  }
0x3c: {  	p2 =	seq.s32 s10, $0x1;
	s10 =	sld [smem:$0x3FB5]  }
0x3d: {  	_ =	shalt  }
0x3e: {  	_ =	shalt  }
0x3f: {  	_ =	shalt  }
0x40: {  	_ =	shalt  }
0x41: {  	_ =	shalt  }
0x42: {  	_ =	shalt  }
0x43: {  	_ =	shalt  }
0x44: {  	_ =	shalt  }
0x45: {  	_ =	shalt  }
0x46: {  	_ =	shalt  }
0x47: {  	_ =	shalt  }
0x48: {  	_ =	shalt  }
0x49: {  	_ =	shalt  }
0x4a: {  	_ =	shalt  }
0x4b: {  	_ =	shalt  }
0x4c: {  	_ =	shalt  }
0x4d: {  	_ =	shalt  }
0x4e: {  	_ =	shalt  }
0x4f: {  	_ =	shalt  }
0x50: {  	_ =	shalt  }
0x51: {  	_ =	shalt  }
0x52: {  	_ =	shalt  }
0x53: {  	_ =	shalt  }
0x54: {  	_ =	shalt  }
0x55: {  	_ =	shalt  }
0x56: {  	_ =	shalt  }
0x57: {  	_ =	shalt  }
0x58: {  	_ =	shalt  }
0x59: {  	_ =	shalt  }
0x5a: {  	_ =	shalt  }
0x5b: {  	_ =	shalt  }
0x5c: {  	_ =	shalt  }
0x5d: {  	_ =	shalt  }
0x5e: {  	_ =	shalt  }
0x5f: {  	_ =	shalt  }
0x60: {  	_ =	shalt  }
0x61: {  	_ =	shalt  }
0x62: {  	_ =	shalt  }
0x63: {  	_ =	shalt  }
0x64: {  	_ =	shalt  }
0x65: {  	_ =	shalt  }
0x66: {  	_ =	shalt  }
0x67: {  	_ =	shalt  }
0x68: {  	_ =	shalt  }
0x69: {  	_ =	shalt  }
0x6a: {  	_ =	shalt  }
0x6b: {  	_ =	shalt  }
0x6c: {  	_ =	shalt  }
0x6d: {  	_ =	shalt  }
0x6e: {  	_ =	shalt  }
0x6f: {  	_ =	shalt  }
0x70: {  	_ =	shalt  }
0x71: {  	_ =	shalt  }
0x72: {  	_ =	shalt  }
0x73: {  	_ =	shalt  }
0x74: {  	_ =	shalt  }
0x75: {  	_ =	shalt  }
0x76: {  	_ =	shalt  }
0x77: {  	_ =	shalt  }
0x78: {  	_ =	shalt  }
0x79: {  	_ =	shalt  }
0x7a: {  	_ =	shalt  }
0x7b: {  	_ =	shalt  }
0x7c: {  	_ =	shalt  }
0x7d: {  	_ =	shalt  }
0x7e: {  	_ =	shalt  }
0x7f: {  	_ =	shalt  }
0x80: {  	_ =	shalt  }
0x81: {  	_ =	shalt  }
0x82: {  	_ =	shalt  }
0x83: {  	_ =	shalt  }
0x84: {  	_ =	shalt  }
0x85: {  	_ =	shalt  }
0x86: {  	_ =	shalt  }
0x87: {  	_ =	shalt  }
.Lfunc_end0:
.L_simem_size_0:
called_computation.2_lowered:
.L_overlay_start_0:
0x88: {  	s2 =	sld [smem:$0x3FD9]  }
0x89: {  	s3 =	sld [smem:$0x3FFE];
	_ =	sdelay $0x1  }
0x8a: {  	s1 =	srdreg.scid  }
0x8b: {  	s0 =	sand.u32 $0x1, s1  }
0x8c: {  	s17 =	sshll.u32 s0, $0xA;
	s2 =	sadd.s32 s3, s2  }
0x8d: {  	s2 =	sadd.s32 s2, s17  }
0x8e: {  	[smem:$0x3FC1] =	sst s2  }
0x8f: {  	_ = 	snop  }
0x90: {  	s2 =	sld [smem:$0x3FC9]  }
0x91: {  	s18 =	sld [smem:$0x3FC8]  }
0x92: {  	s4 =	sld [smem:$0x3FC7]  }
0x93: {  	s5 =	sld [smem:$0x3FC5];
	(tm) =	ssettm $0x1  }
0x94: {  	s6 =	sld [smem:$0x3FFB];
	_ =	sdelay $0x3  }
0x95: {  	_ =	strace s6  }
0x96: {  	s6 =	sld [smem:$0x3FFC];
	_ =	sdelay $0x3  }
0x97: {  	_ =	strace s6  }
0x98: {  	s6 =	sld [smem:$0x3FFD];
	_ =	sdelay $0x3  }
0x99: {  	_ =	strace s6  }
0x9a: {  	_ =	strace $0x8FFFFFFF  }
0x9b: {  	s19 =	sld [smem:$0x3FDB];
	_ =	sdelay $0x1  }
0x9c: {  	s7 =	simm.s32 $_scs_section_size  }
0x9d: {  	s8 =	simm.s32 $_size__tile_overlayer_lowered;
	s9 =	simm.s32 $_tile_overlayer_lowered  }
0x9e: {  	s22 =	simm.s32 $0x1BFF;
	s21 =	sshll.u32 s9, $0x1;
	s6 =	sadd.s32 s7, s19  }
0x9f: {  	s10 =	simm.s32 $0x0;
	s20 =	sshll.u32 s8, $0x1;
	s8 =	sadd.s32 s21, s6  }
0xa0: {  	[timem:s10], [sflag:s22] =	dma.local [hbm:s8], s20  }
0xa1: {  	_ =	swait.ge [sflag:s22], s20  }
0xa2: {  	s7 =	ssub.s32 $0x0, s20;
	[sflag:s22] =	ssyncset.done $0x0  }
0xa3: {  	[sflag:s22] =	ssyncadd.s32 s7;
	_ =	sdelay $0x1  }
0xa4: {  	s23 =	simm.s32 $0x1B8B  }
0xa5: {  	_ =	swait.ge [sflag:s23], $0x1  }
0xa6: {  	[sflag:s23] =	ssyncset.done $0x0  }
0xa7: {  	s25 =	simm.s32 $0x1B8E;
	s24 =	sld [smem:$0x3FFE];
	[sflag:s23] =	ssyncadd.s32 $0xFFFFFFFF  }
0xa8: {  	s26 =	simm.s32 $execute0_lowered;
	[smem:$0x3FD2] =	sst s25  }
0xa9: {  	s8 =	sshll.u32 s26, $0x1;
	_ =	strace $0x8000004C;
	[dreg:$0x1] =	wrdreg $0xFFFFFFFF  }
0xaa: {  	s28 =	simm.s32 $_size_execute0_lowered;
	s6 =	sadd.s32 s6, s8;
	[dreg:$0x0] =	wrdreg $0x0  }
0xab: {  	s8 =	sshll.u32 s28, $0x1;
	[dreg:$0x2] =	wrdreg s6  }
0xac: {  	[dreg:$0x3] =	wrdreg s8  }
0xad: {  	[dreg:$0x4] =	wrdreg $0xC0  }
0xae: {  	_ =	task [dreg:s10], $0x5FFFF  }
0xaf: {  	[dreg:$0x1] =	wrdreg $0xFFFFFFFF  }
0xb0: {  	[dreg:$0x0] =	wrdreg $0x60  }
0xb1: {  	[dreg:$0x2] =	wrdreg s4  }
0xb2: {  	[dreg:$0x3] =	wrdreg s2  }
0xb3: {  	[dreg:$0x4] =	wrdreg s18  }
0xb4: {  	[dreg:$0x5] =	wrdreg s5  }
0xb5: {  	[dreg:$0x6] =	wrdreg s24  }
0xb6: {  	[dreg:$0x7] =	wrdreg $0x9  }
0xb7: {  	_ =	task.clear_ibuf [dreg:s10], $0x8FFFF;
	_ =	strace $0x9000004C  }
0xb8: {  	s29 =	simm.s32 $0x9;
	_ =	strace $0x8000004E  }
0xb9: {  	_ =	swait.ge [sflag:s29], $0x1  }
0xba: {  	[sflag:s29] =	ssyncadd.s32 $0xFFFFFFFF  }
0xbb: {  	_ =	strace $0x9000004E  }
0xbc: {  	_ =	sfence  }
0xbd: {  	s30 =	sld [smem:$0x0];
	_ =	sdelay $0x2  }
0xbe: {  	s31 =	sshll.u32 s1, $0xD;
	s1 =	sshrl.u32 s1, $0x2  }
0xbf: {  	s3 =	sand.u32 $0x4000, s31;
	s1 =	sadd.s32 s1, s30  }
0xc0: {  	s0 =	sor.u32 s3, s0;
	s1 =	sshll.u32 s1, $0x11  }
0xc1: {  	s0 =	sor.u32 s1, s0  }
0xc2: {  	s0 =	sadd.s32 $0x8F2B, s0  }
0xc3: {  	[sflag:s0] =	ssyncadd.remote.s32 $0x1  }
0xc4: {  	_ =	sfence.sel $0xFFFF  }
0xc5: {  	[dreg:$0x0] =	wrdreg $0xFFFFFFFF;
	(pc) =	sbr.abs _section_cstart, $3  }
0xc6: {  	[dreg:$0x1] =	wrdreg $0xFFFFFFFF  }
0xc7: {  	_ =	task.clear_ibuf [dreg:s10], $0x2FFFF;
	_ =	strace $0x9FFFFFFF  }
0xc8: {  	(tm) =	ssettm $0x7FFFFFFF  }
0xc9: {  	_ =	shalt  }
tec
execute0_lowered:
.L_overlay_start_1:
0x0: {  	(tag) =	ssettag $0x1  }
0x1: {  	s0 =	rddreg [dreg:$0x0]  }
0x2: {  	s2 =	rddreg [dreg:$0x1]  }
0x3: {  	s8 =	rddreg [dreg:$0x2]  }
0x4: {  	s6 =	rddreg [dreg:$0x4];
	s3 =	simm.s32 $0x0  }
0x5: {  	s4 =	srdreg.scid;
	s1 =	stileid.u32;
	s13 =	simm.s32 $0x1000  }
0x6: {  	s14 =	simm.s32 $0x20000;
	s16 =	simm.s32 $0x2200;
	s17 =	simm.s32 $0x2400  }
0x7: {  	s18 =	simm.s32 $0x1;
	s19 =	simm.s32 $0x80;
	s20 =	simm.s32 $0xE400  }
0x8: {  	s21 =	simm.s32 $0x2;
	s22 =	simm.s32 $0xA400;
	s23 =	simm.s32 $0xC400  }
0x9: {  	s24 =	simm.s32 $0x0;
	[smem:$0x7FF] =	sst s3;
	s5 =	sand.u32 $0x1, s4  }
0xa: {  	s7 =	sshll.u32 s1, $0xA;
	s4 =	sadd.s32 $0x1A00, s6;
	s9 =	sshll.u32 s5, $0x9  }
0xb: {  	_ =	strace $0x8000004D;
	s29 =	ssub.s32 $0x2, s5;
	s7 =	sor.u32 s9, s7  }
0xc: {  	s5 =	sadd.s32 $0x101A00, s6;
	s30 =	sshrl.u32 s29, $0x1;
	s11 =	sadd.s32 s7, s6  }
0xd: {  	s12 =	ssub.s32 s29, s30;
	s6 =	sadd.s32 s0, s7;
	s31 =	sshrl.u32 s7, $0x3  }
0xe: {  	s7 =	sadd.s32 s2, s31;
	s8 =	sadd.s32 s8, s31;
	s9 =	sadd.s32 $0x301A00, s11  }
0xf: {  	s10 =	sadd.s32 $0x309A00, s11;
	s11 =	sadd.s32 $0x311A00, s11;
	s12 =	smax.u32 s12, $0x1  }
.LBB2_1:
0x10: {  	[tilespmem:s3], [sflag:$0x1] =	stream.strided.gather [hbm4b:s6+s13], $0x2000, s14, s13, $0x38;
	[tilespmem:$0x10400] =	vst v63  }
0x11: {  	s0 =	simm.s32 $0x2000  }
0x12: {  	[tilespmem:s0], [sflag:$0x1] =	stream.linear.gather [hbm4b:s7+s3], $0x200, $0x38;
	[tilespmem:$0x10400] =	vst v63  }
0x13: {  	_ = 	snop  }
0x14: {  	[tilespmem:s16], [sflag:$0x1] =	stream.linear.gather [hbm4b:s8+s3], $0x200, $0x38;
	[tilespmem:$0x10400] =	vst v63  }
0x15: {  	s26 =	rddreg [dreg:$0x3]  }
0x16: {  	[tilespmem:s17], [sflag:$0x1] =	stream.linear.gather [hbm4b:s26+s3], $0x4000, $0x38;
	[tilespmem:$0x10400] =	vst v63  }
0x17: {  	_ =	swait.ge [sflag:s18], $0x2000  }
0x18: {  	[sflag:s18] =	ssyncset.done $0x0  }
0x19: {  	[sflag:s18] =	ssyncadd.s32 $0xFFFFE000  }
0x1a: {  	_ =	swait.ge [sflag:s18], $0x200  }
0x1b: {  	[sflag:s18] =	ssyncset.done $0x0  }
0x1c: {  	[sflag:s18] =	ssyncadd.s32 $0xFFFFFE00  }
0x1d: {  	_ =	swait.ge [sflag:s18], $0x200  }
0x1e: {  	[sflag:s18] =	ssyncset.done $0x0  }
0x1f: {  	s30 =	simm.s32 $0x0;
	[sflag:s18] =	ssyncadd.s32 $0xFFFFFE00  }
0x20: {  	s25 =	simm.s32 $0x0;
	s26 =	sand.u32 $0x180, s3;
	_ =	swait.ge [sflag:s18], $0x4000  }
0x21: {  	s0 =	sand.u32 $0x1000, s30;
	s2 =	sshll.u32 s26, $0x3;
	[sflag:s18] =	ssyncset.done $0x0  }
0x22: {  	s31 =	sand.u32 $0x380, s25;
	s0 =	sor.u32 s2, s0;
	[sflag:s18] =	ssyncadd.s32 $0xFFFFC000  }
0x23: {  	s25 =	sor.u32 s31, s0;
	v0 =	vld [tilespmem:s26+$0x2200]  }
0x24: {  	v1 =	vld [tilespmem:s25+$0x0]  }
0x25: {  	v2 =	vld [tilespmem:s26+$0x2000];
	_ =	sdelay $0x3  }
0x26: {  	v0 =	vshll.u32 v0, $0xE  }
0x27: {  	v2 =	vshll.u32 v2, $0xE;
	v0 =	vadd.s32 v1, v0  }
0x28: {  	v1 =	vadd.s32 v1, v2;
	[tilespmem:s25+$0x8400] =	vst v0  }
0x29: {  	[tilespmem:s25+$0x6400] =	vst v1;
	v0 =	vld [tilespmem:s25+$0x10]  }
0x2a: {  	v1 =	vld [tilespmem:s26+$0x2210]  }
0x2b: {  	v2 =	vld [tilespmem:s26+$0x2010];
	_ =	sdelay $0x3  }
0x2c: {  	v1 =	vshll.u32 v1, $0xE  }
0x2d: {  	v2 =	vshll.u32 v2, $0xE;
	v1 =	vadd.s32 v0, v1  }
0x2e: {  	v0 =	vadd.s32 v0, v2;
	[tilespmem:s25+$0x8410] =	vst v1  }
0x2f: {  	[tilespmem:s25+$0x6410] =	vst v0;
	v0 =	vld [tilespmem:s25+$0x20]  }
0x30: {  	v1 =	vld [tilespmem:s26+$0x2020]  }
0x31: {  	v2 =	vld [tilespmem:s26+$0x2220];
	_ =	sdelay $0x3  }
0x32: {  	v1 =	vshll.u32 v1, $0xE  }
0x33: {  	v2 =	vshll.u32 v2, $0xE;
	v1 =	vadd.s32 v0, v1  }
0x34: {  	v0 =	vadd.s32 v0, v2;
	[tilespmem:s25+$0x6420] =	vst v1  }
0x35: {  	[tilespmem:s25+$0x8420] =	vst v0;
	v0 =	vld [tilespmem:s25+$0x30]  }
0x36: {  	v1 =	vld [tilespmem:s26+$0x2030]  }
0x37: {  	v2 =	vld [tilespmem:s26+$0x2230];
	_ =	sdelay $0x3  }
0x38: {  	v1 =	vshll.u32 v1, $0xE  }
0x39: {  	v2 =	vshll.u32 v2, $0xE;
	v1 =	vadd.s32 v0, v1  }
0x3a: {  	v0 =	vadd.s32 v0, v2;
	[tilespmem:s25+$0x6430] =	vst v1  }
0x3b: {  	[tilespmem:s25+$0x8430] =	vst v0;
	v0 =	vld [tilespmem:s25+$0x40]  }
0x3c: {  	v1 =	vld [tilespmem:s26+$0x2040]  }
0x3d: {  	v2 =	vld [tilespmem:s26+$0x2240];
	_ =	sdelay $0x3  }
0x3e: {  	v1 =	vshll.u32 v1, $0xE  }
0x3f: {  	v2 =	vshll.u32 v2, $0xE;
	v1 =	vadd.s32 v0, v1  }
0x40: {  	v0 =	vadd.s32 v0, v2;
	[tilespmem:s25+$0x6440] =	vst v1  }
0x41: {  	[tilespmem:s25+$0x8440] =	vst v0;
	v0 =	vld [tilespmem:s25+$0x50]  }
0x42: {  	v1 =	vld [tilespmem:s26+$0x2050]  }
0x43: {  	v2 =	vld [tilespmem:s26+$0x2250];
	_ =	sdelay $0x3  }
0x44: {  	v1 =	vshll.u32 v1, $0xE  }
0x45: {  	v2 =	vshll.u32 v2, $0xE;
	v1 =	vadd.s32 v0, v1  }
0x46: {  	v0 =	vadd.s32 v0, v2;
	[tilespmem:s25+$0x6450] =	vst v1  }
0x47: {  	[tilespmem:s25+$0x8450] =	vst v0;
	v0 =	vld [tilespmem:s25+$0x60]  }
0x48: {  	v2 =	vld [tilespmem:s26+$0x2060]  }
0x49: {  	s28 =	simm.s32 $0x1;
	s29 =	simm.s32 $0x0;
	v1 =	vld [tilespmem:s26+$0x2260]  }
.LBB2_2:
0x4a: {  	_ = 	snop  }
0x4b: {  	p0 =	sne.s32 s28, $0x37  }
0x4c: {  	s29 =	sadd.s32 $0x80, s29;
	s0 =	smov.u32 s28;
	s28 =	sadd.s32 $0x1, s28  }
0x4d: {  	v2 =	vshll.u32 v2, $0xE  }
0x4e: {  	v2 =	vadd.s32 v0, v2;
	v1 =	vshll.u32 v1, $0xE  }
0x4f: {  	[tilespmem:s25+$0x6460] =	vst v2;
	v0 =	vadd.s32 v0, v1  }
0x50: {  	[tilespmem:s25+$0x8460] =	vst v0;
	v0 =	vld [tilespmem:s25+$0x70]  }
0x51: {  	v1 =	vld [tilespmem:s26+$0x2270]  }
0x52: {  	v2 =	vld [tilespmem:s26+$0x2070]  }
0x53: {  	s2 =	sshll.u32 s0, $0x7;
	s26 =	sand.u32 $0x180, s29;
	_ =	sdelay $0x2  }
0x54: {  	s30 =	sadd.s32 $0x6400, s25;
	s31 =	sadd.s32 $0xA400, s25;
	s1 =	sadd.s32 $0xC400, s25;
	v1 =	vshll.u32 v1, $0xE  }
0x55: {  	s0 =	sshll.u32 s0, $0x5;
	s2 =	sand.u32 $0x1000, s2;
	s15 =	sshll.u32 s26, $0x3;
	v2 =	vshll.u32 v2, $0xE;
	v1 =	vadd.s32 v0, v1  }
0x56: {  	s0 =	sand.u32 $0x380, s0;
	s2 =	sor.u32 s15, s2;
	s15 =	sadd.s32 $0x8400, s25;
	v0 =	vadd.s32 v0, v2;
	[tilespmem:s25+$0x8470] =	vst v1  }
0x57: {  	[tilespmem:s25+$0x6470] =	vst v0;
	s25 =	sor.u32 s0, s2  }
0x58: {  	[tilespmem:s31], [sflag:$0x1] =	stream.indirect.gather [hbm4b:s4+s19], $0x1, s30, s19, $0xb8;
	[tilespmem:$0x10400] =	vst v63  }
0x59: {  	_ = 	snop  }
0x5a: {  	[tilespmem:s1], [sflag:$0x1] =	stream.indirect.gather [hbm4b:s5+s19], $0x1, s15, s19, $0xb8;
	[tilespmem:$0x10400] =	vst v63  }
0x5b: {  	v0 =	vld [tilespmem:s26+$0x2200]  }
0x5c: {  	v1 =	vld [tilespmem:s25+$0x0]  }
0x5d: {  	v2 =	vld [tilespmem:s26+$0x2000];
	_ =	sdelay $0x3  }
0x5e: {  	v0 =	vshll.u32 v0, $0xE  }
0x5f: {  	v0 =	vadd.s32 v1, v0;
	v2 =	vshll.u32 v2, $0xE  }
0x60: {  	v1 =	vadd.s32 v1, v2;
	[tilespmem:s25+$0x8400] =	vst v0  }
0x61: {  	[tilespmem:s25+$0x6400] =	vst v1;
	v0 =	vld [tilespmem:s25+$0x10]  }
0x62: {  	v1 =	vld [tilespmem:s26+$0x2210]  }
0x63: {  	v2 =	vld [tilespmem:s26+$0x2010];
	_ =	sdelay $0x3  }
0x64: {  	v1 =	vshll.u32 v1, $0xE  }
0x65: {  	v2 =	vshll.u32 v2, $0xE;
	v1 =	vadd.s32 v0, v1  }
0x66: {  	v0 =	vadd.s32 v0, v2;
	[tilespmem:s25+$0x8410] =	vst v1  }
0x67: {  	[tilespmem:s25+$0x6410] =	vst v0;
	v0 =	vld [tilespmem:s25+$0x20]  }
0x68: {  	v1 =	vld [tilespmem:s26+$0x2020]  }
0x69: {  	v2 =	vld [tilespmem:s26+$0x2220];
	_ =	sdelay $0x3  }
0x6a: {  	v1 =	vshll.u32 v1, $0xE  }
0x6b: {  	v1 =	vadd.s32 v0, v1;
	v2 =	vshll.u32 v2, $0xE  }
0x6c: {  	[tilespmem:s25+$0x6420] =	vst v1;
	v0 =	vadd.s32 v0, v2  }
0x6d: {  	[tilespmem:s25+$0x8420] =	vst v0;
	v0 =	vld [tilespmem:s25+$0x30]  }
0x6e: {  	v1 =	vld [tilespmem:s26+$0x2030]  }
0x6f: {  	v2 =	vld [tilespmem:s26+$0x2230];
	_ =	sdelay $0x3  }
0x70: {  	v1 =	vshll.u32 v1, $0xE  }
0x71: {  	v1 =	vadd.s32 v0, v1;
	v2 =	vshll.u32 v2, $0xE  }
0x72: {  	[tilespmem:s25+$0x6430] =	vst v1;
	v0 =	vadd.s32 v0, v2  }
0x73: {  	[tilespmem:s25+$0x8430] =	vst v0;
	v0 =	vld [tilespmem:s25+$0x40]  }
0x74: {  	v1 =	vld [tilespmem:s26+$0x2040]  }
0x75: {  	v2 =	vld [tilespmem:s26+$0x2240];
	_ =	sdelay $0x3  }
0x76: {  	v1 =	vshll.u32 v1, $0xE  }
0x77: {  	v1 =	vadd.s32 v0, v1;
	v2 =	vshll.u32 v2, $0xE  }
0x78: {  	[tilespmem:s25+$0x6440] =	vst v1;
	v0 =	vadd.s32 v0, v2  }
0x79: {  	[tilespmem:s25+$0x8440] =	vst v0;
	v0 =	vld [tilespmem:s25+$0x50]  }
0x7a: {  	v1 =	vld [tilespmem:s26+$0x2050]  }
0x7b: {  	v2 =	vld [tilespmem:s26+$0x2250];
	_ =	sdelay $0x3  }
0x7c: {  	v1 =	vshll.u32 v1, $0xE  }
.Ltmp0:
0x7d: {  	v1 =	vadd.s32 v0, v1;
	v2 =	vshll.u32 v2, $0xE;
	(pc) =	sbr.rel @p0 .LBB2_2-.Ltmp0, $4  }
0x7e: {  	[tilespmem:s25+$0x6450] =	vst v1;
	v0 =	vadd.s32 v0, v2  }
0x7f: {  	[tilespmem:s25+$0x8450] =	vst v0;
	v0 =	vld [tilespmem:s25+$0x60]  }
0x80: {  	v2 =	vld [tilespmem:s26+$0x2060]  }
0x81: {  	v1 =	vld [tilespmem:s26+$0x2260]  }
0x82: {  	_ =	sdelay $0x2  }
0x83: {  	v2 =	vshll.u32 v2, $0xE  }
0x84: {  	v2 =	vadd.s32 v0, v2;
	v1 =	vshll.u32 v1, $0xE  }
0x85: {  	[tilespmem:s25+$0x6460] =	vst v2;
	v0 =	vadd.s32 v0, v1  }
0x86: {  	[tilespmem:s25+$0x8460] =	vst v0;
	v0 =	vld [tilespmem:s25+$0x70]  }
0x87: {  	v1 =	vld [tilespmem:s26+$0x2270]  }
0x88: {  	v2 =	vld [tilespmem:s26+$0x2070];
	_ =	sdelay $0x3  }
0x89: {  	v1 =	vshll.u32 v1, $0xE  }
0x8a: {  	v2 =	vshll.u32 v2, $0xE;
	v1 =	vadd.s32 v0, v1  }
0x8b: {  	v0 =	vadd.s32 v0, v2;
	[tilespmem:s25+$0x8470] =	vst v1  }
0x8c: {  	s0 =	sadd.s32 $0x6400, s25;
	s1 =	sadd.s32 $0xA400, s25;
	[tilespmem:s25+$0x6470] =	vst v0  }
0x8d: {  	[tilespmem:s1], [sflag:$0x1] =	stream.indirect.gather [hbm4b:s4+s19], $0x1, s0, s19, $0xb8;
	[tilespmem:$0x10400] =	vst v63  }
0x8e: {  	s2 =	sadd.s32 $0x8400, s25;
	s15 =	simm.s32 $0x0;
	s1 =	sadd.s32 $0xC400, s25  }
0x8f: {  	[tilespmem:s1], [sflag:$0x1] =	stream.indirect.gather [hbm4b:s5+s19], $0x1, s2, s19, $0xb8;
	[tilespmem:$0x10400] =	vst v63  }
0x90: {  	s25 =	simm.s32 $0x0;
	s0 =	sand.u32 $0xC00, s15;
	s2 =	sand.u32 $0x70, s15  }
0x91: {  	s15 =	simm.s32 $0x0;
	s1 =	sand.u32 $0x1000, s25;
	s0 =	sor.u32 s0, s2  }
0x92: {  	s26 =	sand.u32 $0x380, s15;
	s0 =	sor.u32 s1, s0  }
0x93: {  	s25 =	sor.u32 s26, s0  }
0x94: {  	v0 =	vld [tilespmem:s25+$0x0];
	_ =	sdelay $0x2  }
0x95: {  	s31 =	simm.s32 $0x10  }
0x96: {  	s30 =	simm.s32 $0x4;
	s28 =	simm.s32 $0x80;
	s26 =	simm.s32 $0x10  }
0x97: {  	s29 =	simm.s32 $0x2;
	s2 =	sand.u32 $0xC00, s28;
	s0 =	sand.u32 $0x70, s26  }
.LBB2_4:
0x98: {  	p0 =	sne.s32 s29, $0x1BF;
	s1 =	sand.u32 $0x1000, s31;
	s0 =	sor.u32 s2, s0  }
0x99: {  	s2 =	sand.u32 $0x380, s30;
	s0 =	sor.u32 s1, s0;
	s1 =	smov.u32 s25  }
0x9a: {  	s25 =	sor.u32 s2, s0;
	v1 =	vld.idx.msk [tilespmem:v0+s17+$0x0], $0xffff  }
0x9b: {  	v0 =	vld [tilespmem:s25+$0x0]  }
.Ltmp1:
0x9c: {  	(pc) =	sbr.rel @p0 .LBB2_4-.Ltmp1, $4  }
0x9d: {  	_ = 	snop  }
0x9e: {  	s26 =	sadd.s32 $0x10, s26  }
0x9f: {  	s31 =	sshll.u32 s29, $0x4;
	s30 =	sshll.u32 s29, $0x2;
	s28 =	sadd.s32 $0x80, s28  }
0xa0: {  	s29 =	sadd.s32 $0x1, s29;
	s0 =	sand.u32 $0x70, s26;
	s2 =	sand.u32 $0xC00, s28;
	[tilespmem:s1+$0xE400] =	vst v1  }
0xa1: {  	s1 =	sand.u32 $0x1000, s31;
	s0 =	sor.u32 s2, s0  }
0xa2: {  	s31 =	sand.u32 $0x380, s30;
	s0 =	sor.u32 s1, s0  }
0xa3: {  	s0 =	sor.u32 s31, s0  }
0xa4: {  	v1 =	vld [tilespmem:s0+$0x0];
	_ =	sdelay $0x1  }
0xa5: {  	v0 =	vld.idx.msk [tilespmem:v0+s17+$0x0], $0xffff;
	_ =	sdelay $0x4  }
0xa6: {  	[tilespmem:s25+$0xE400] =	vst v0  }
0xa7: {  	v0 =	vld.idx.msk [tilespmem:v1+s17+$0x0], $0xffff;
	_ =	sdelay $0x4  }
0xa8: {  	[tilespmem:s0+$0xE400] =	vst v0  }
0xa9: {  	[hbm4b:s9+s13] =	stream.strided.scatter [tilespmem:s20], [sflag:$0x2], $0x2000, s14, s13, $0x38;
	[tilespmem:$0x10400] =	vst v63  }
0xaa: {  	_ =	swait.ge [sflag:s21], $0x2000  }
0xab: {  	[sflag:s21] =	ssyncset.done $0x0  }
0xac: {  	[sflag:s21] =	ssyncadd.s32 $0xFFFFE000  }
0xad: {  	_ =	swait.ge [sflag:s18], $0x200  }
0xae: {  	[sflag:s18] =	ssyncset.done $0x0  }
0xaf: {  	[sflag:s18] =	ssyncadd.s32 $0xFFFFFE00  }
0xb0: {  	_ =	swait.ge [sflag:s18], $0x200  }
0xb1: {  	[sflag:s18] =	ssyncset.done $0x0  }
0xb2: {  	[sflag:s18] =	ssyncadd.s32 $0xFFFFFE00  }
0xb3: {  	_ =	swait.ge [sflag:s18], $0x200  }
0xb4: {  	[sflag:s18] =	ssyncset.done $0x0  }
0xb5: {  	[sflag:s18] =	ssyncadd.s32 $0xFFFFFE00  }
0xb6: {  	_ =	swait.ge [sflag:s18], $0x200  }
0xb7: {  	[sflag:s18] =	ssyncset.done $0x0  }
0xb8: {  	[sflag:s18] =	ssyncadd.s32 $0xFFFFFE00  }
0xb9: {  	_ =	swait.ge [sflag:s18], $0x200  }
0xba: {  	[sflag:s18] =	ssyncset.done $0x0  }
0xbb: {  	[sflag:s18] =	ssyncadd.s32 $0xFFFFFE00  }
0xbc: {  	_ =	swait.ge [sflag:s18], $0x200  }
0xbd: {  	[sflag:s18] =	ssyncset.done $0x0  }
0xbe: {  	[sflag:s18] =	ssyncadd.s32 $0xFFFFFE00  }
0xbf: {  	_ =	swait.ge [sflag:s18], $0x200  }
0xc0: {  	[sflag:s18] =	ssyncset.done $0x0  }
0xc1: {  	[sflag:s18] =	ssyncadd.s32 $0xFFFFFE00  }
0xc2: {  	_ =	swait.ge [sflag:s18], $0x200  }
0xc3: {  	[sflag:s18] =	ssyncset.done $0x0  }
0xc4: {  	[sflag:s18] =	ssyncadd.s32 $0xFFFFFE00  }
0xc5: {  	_ =	swait.ge [sflag:s18], $0x200  }
0xc6: {  	[sflag:s18] =	ssyncset.done $0x0  }
0xc7: {  	[sflag:s18] =	ssyncadd.s32 $0xFFFFFE00  }
0xc8: {  	_ =	swait.ge [sflag:s18], $0x200  }
0xc9: {  	[sflag:s18] =	ssyncset.done $0x0  }
0xca: {  	[sflag:s18] =	ssyncadd.s32 $0xFFFFFE00  }
0xcb: {  	_ =	swait.ge [sflag:s18], $0x200  }
0xcc: {  	[sflag:s18] =	ssyncset.done $0x0  }
0xcd: {  	[sflag:s18] =	ssyncadd.s32 $0xFFFFFE00  }
0xce: {  	_ =	swait.ge [sflag:s18], $0x200  }
0xcf: {  	[sflag:s18] =	ssyncset.done $0x0  }
0xd0: {  	[sflag:s18] =	ssyncadd.s32 $0xFFFFFE00  }
0xd1: {  	_ =	swait.ge [sflag:s18], $0x200  }
0xd2: {  	[sflag:s18] =	ssyncset.done $0x0  }
0xd3: {  	[sflag:s18] =	ssyncadd.s32 $0xFFFFFE00  }
0xd4: {  	_ =	swait.ge [sflag:s18], $0x200  }
0xd5: {  	[sflag:s18] =	ssyncset.done $0x0  }
0xd6: {  	[sflag:s18] =	ssyncadd.s32 $0xFFFFFE00  }
0xd7: {  	_ =	swait.ge [sflag:s18], $0x200  }
0xd8: {  	[sflag:s18] =	ssyncset.done $0x0  }
0xd9: {  	[sflag:s18] =	ssyncadd.s32 $0xFFFFFE00  }
0xda: {  	_ =	swait.ge [sflag:s18], $0x200  }
0xdb: {  	[sflag:s18] =	ssyncset.done $0x0  }
0xdc: {  	[sflag:s18] =	ssyncadd.s32 $0xFFFFFE00  }
0xdd: {  	_ =	swait.ge [sflag:s18], $0x200  }
0xde: {  	[sflag:s18] =	ssyncset.done $0x0  }
0xdf: {  	[sflag:s18] =	ssyncadd.s32 $0xFFFFFE00  }
0xe0: {  	_ =	swait.ge [sflag:s18], $0x200  }
0xe1: {  	[sflag:s18] =	ssyncset.done $0x0  }
0xe2: {  	[sflag:s18] =	ssyncadd.s32 $0xFFFFFE00  }
0xe3: {  	_ =	swait.ge [sflag:s18], $0x200  }
0xe4: {  	[sflag:s18] =	ssyncset.done $0x0  }
0xe5: {  	[sflag:s18] =	ssyncadd.s32 $0xFFFFFE00  }
0xe6: {  	_ =	swait.ge [sflag:s18], $0x200  }
0xe7: {  	[sflag:s18] =	ssyncset.done $0x0  }
0xe8: {  	[sflag:s18] =	ssyncadd.s32 $0xFFFFFE00  }
0xe9: {  	_ =	swait.ge [sflag:s18], $0x200  }
0xea: {  	[sflag:s18] =	ssyncset.done $0x0  }
0xeb: {  	[sflag:s18] =	ssyncadd.s32 $0xFFFFFE00  }
0xec: {  	_ =	swait.ge [sflag:s18], $0x200  }
0xed: {  	[sflag:s18] =	ssyncset.done $0x0  }
0xee: {  	[sflag:s18] =	ssyncadd.s32 $0xFFFFFE00  }
0xef: {  	_ =	swait.ge [sflag:s18], $0x200  }
0xf0: {  	[sflag:s18] =	ssyncset.done $0x0  }
0xf1: {  	[sflag:s18] =	ssyncadd.s32 $0xFFFFFE00  }
0xf2: {  	_ =	swait.ge [sflag:s18], $0x200  }
0xf3: {  	[sflag:s18] =	ssyncset.done $0x0  }
0xf4: {  	[sflag:s18] =	ssyncadd.s32 $0xFFFFFE00  }
0xf5: {  	_ =	swait.ge [sflag:s18], $0x200  }
0xf6: {  	[sflag:s18] =	ssyncset.done $0x0  }
0xf7: {  	[sflag:s18] =	ssyncadd.s32 $0xFFFFFE00  }
0xf8: {  	_ =	swait.ge [sflag:s18], $0x200  }
0xf9: {  	[sflag:s18] =	ssyncset.done $0x0  }
0xfa: {  	[sflag:s18] =	ssyncadd.s32 $0xFFFFFE00  }
0xfb: {  	_ =	swait.ge [sflag:s18], $0x200  }
0xfc: {  	[sflag:s18] =	ssyncset.done $0x0  }
0xfd: {  	[sflag:s18] =	ssyncadd.s32 $0xFFFFFE00  }
0xfe: {  	_ =	swait.ge [sflag:s18], $0x200  }
0xff: {  	[sflag:s18] =	ssyncset.done $0x0  }
0x100: {  	[sflag:s18] =	ssyncadd.s32 $0xFFFFFE00  }
0x101: {  	[hbm4b:s10+s13] =	stream.strided.scatter [tilespmem:s22], [sflag:$0x2], $0x2000, s14, s13, $0x38;
	[tilespmem:$0x10400] =	vst v63  }
0x102: {  	s24 =	sadd.s32 $0x1, s24;
	_ =	swait.ge [sflag:s21], $0x2000  }
0x103: {  	p0 =	sne.s32 s24, s12;
	[sflag:s21] =	ssyncset.done $0x0  }
.Ltmp2:
0x104: {  	[sflag:s21] =	ssyncadd.s32 $0xFFFFE000;
	(pc) =	sbr.rel @p0 .LBB2_1-.Ltmp2, $4  }
0x105: {  	[hbm4b:s11+s13] =	stream.strided.scatter [tilespmem:s23], [sflag:$0x2], $0x2000, s14, s13, $0x38;
	[tilespmem:$0x10400] =	vst v63  }
0x106: {  	_ =	swait.ge [sflag:s21], $0x2000  }
0x107: {  	[sflag:s21] =	ssyncset.done $0x0  }
0x108: {  	[sflag:s21] =	ssyncadd.s32 $0xFFFFE000  }
0x109: {  	_ =	sfence.sel $0x180000  }
0x10a: {  	[bflag:$0x0] =	sbarrier.arrive $0xFFFF  }
0x10b: {  	_ =	strace $0x9000004D  }
0x10c: {  	s0 =	stileid.u32;
	[bflag:$0x2] =	sbarrier.arrive $0xFFFF  }
0x10d: {  	p0 =	sne.s32 s0, $0x0;
	s0 =	rddreg [dreg:$0x5]  }
0x10e: {  	s0 =	sadd.s32 @!p0 $0x100000, s0  }
0x10f: {  	[sflag:s0] =	ssyncadd.tile.s32 @!p0 $0x1;
	_ =	shalt  }
.Lfunc_end2:
_tile_overlayer_lowered:
.L_overlay_start_2:
0x110: {  	(tag) =	ssettag $0x2  }
0x111: {  	s0 =	rddreg [dreg:$0x0];
	s2 =	stileid.u32  }
0x112: {  	s1 =	rddreg [dreg:$0x1];
	p0 =	sne.s32 s2, $0x0  }
0x113: {  	s3 =	rddreg [dreg:$0x2];
	[bflag:$0x3] =	sbarrier.arrive $0xFFFF;
	s2 =	simm.s32 @!p0 $0x1C02  }
0x114: {  	[timem:s3], [sflag:s2] =	dma.local @!p0 [hbm:s0], s1  }
0x115: {  	s0 =	simm.s32 @!p0 $0x2  }
0x116: {  	_ =	swait.ge @!p0 [sflag:s0], s1  }
0x117: {  	s1 =	ssub.s32 @!p0 $0x0, s1;
	[sflag:s0] =	ssyncset.done @!p0 $0x0  }
0x118: {  	[sflag:s0] =	ssyncadd.s32 @!p0 s1  }
0x119: {  	[bflag:$0x3] =	sbarrier.arrive $0xFFFF  }
0x11a: {  	_ =	shalt  }

// kernel: sparse-core-data-format-call.1.cloned.1.call-start
scs
called_computation.1_lowered:
.L_overlay_start_0:
0x0: {  	s2 =	sld [smem:$0x3FD9]  }
0x1: {  	s3 =	sld [smem:$0x3FFE];
	_ =	sdelay $0x1  }
0x2: {  	s1 =	srdreg.scid  }
0x3: {  	s0 =	sand.u32 $0x1, s1  }
0x4: {  	s18 =	sshll.u32 s0, $0xA;
	s2 =	sadd.s32 s3, s2  }
0x5: {  	s2 =	sadd.s32 s2, s18  }
0x6: {  	[smem:$0x3FC1] =	sst s2  }
0x7: {  	_ = 	snop  }
0x8: {  	s2 =	sld [smem:$0x3FC4];
	(tm) =	ssettm $0x1  }
0x9: {  	s19 =	sld [smem:$0x3FFB];
	_ =	sdelay $0x3  }
0xa: {  	_ =	strace s19  }
0xb: {  	s3 =	sld [smem:$0x3FFC];
	_ =	sdelay $0x3  }
0xc: {  	_ =	strace s3  }
0xd: {  	s3 =	sld [smem:$0x3FFD];
	_ =	sdelay $0x3  }
0xe: {  	_ =	strace s3  }
0xf: {  	_ =	strace $0x8FFFFFFF  }
0x10: {  	s20 =	sld [smem:$0x3FDB];
	_ =	sdelay $0x1  }
0x11: {  	s4 =	simm.s32 $_scs_section_size  }
0x12: {  	s5 =	simm.s32 $_size__tile_overlayer_lowered;
	s6 =	simm.s32 $_tile_overlayer_lowered  }
0x13: {  	s23 =	simm.s32 $0x1BFF;
	s22 =	sshll.u32 s6, $0x1;
	s3 =	sadd.s32 s4, s20  }
0x14: {  	s7 =	simm.s32 $0x0;
	s21 =	sshll.u32 s5, $0x1;
	s5 =	sadd.s32 s22, s3  }
0x15: {  	[timem:s7], [sflag:s23] =	dma.local [hbm:s5], s21  }
0x16: {  	_ =	swait.ge [sflag:s23], s21  }
0x17: {  	s4 =	ssub.s32 $0x0, s21;
	[sflag:s23] =	ssyncset.done $0x0  }
0x18: {  	[sflag:s23] =	ssyncadd.s32 s4;
	_ =	sdelay $0x1  }
0x19: {  	s24 =	simm.s32 $0x1B8B  }
0x1a: {  	_ =	swait.ge [sflag:s24], $0x1  }
0x1b: {  	[sflag:s24] =	ssyncset.done $0x0  }
0x1c: {  	s26 =	simm.s32 $0x1B8E;
	s25 =	sld [smem:$0x3FFE];
	[sflag:s24] =	ssyncadd.s32 $0xFFFFFFFF  }
0x1d: {  	s27 =	simm.s32 $execute0_lowered;
	[smem:$0x3FD2] =	sst s26  }
0x1e: {  	s5 =	sshll.u32 s27, $0x1;
	_ =	strace $0x80000046;
	[dreg:$0x1] =	wrdreg $0xFFFFFFFF  }
0x1f: {  	s28 =	simm.s32 $_size_execute0_lowered;
	s3 =	sadd.s32 s3, s5;
	[dreg:$0x0] =	wrdreg $0x0  }
0x20: {  	s5 =	sshll.u32 s28, $0x1;
	[dreg:$0x2] =	wrdreg s3  }
0x21: {  	[dreg:$0x3] =	wrdreg s5  }
0x22: {  	[dreg:$0x4] =	wrdreg $0xC0  }
0x23: {  	_ =	task [dreg:s7], $0x5FFFF  }
0x24: {  	[dreg:$0x1] =	wrdreg $0xFFFFFFFF  }
0x25: {  	[dreg:$0x0] =	wrdreg $0x60  }
0x26: {  	[dreg:$0x2] =	wrdreg s2  }
0x27: {  	[dreg:$0x3] =	wrdreg s25  }
0x28: {  	[dreg:$0x4] =	wrdreg $0xA  }
0x29: {  	_ =	task.clear_ibuf [dreg:s7], $0x5FFFF;
	_ =	strace $0x90000046  }
0x2a: {  	s29 =	simm.s32 $0xA;
	_ =	strace $0x80000048  }
0x2b: {  	_ =	swait.ge [sflag:s29], $0x1  }
0x2c: {  	[sflag:s29] =	ssyncadd.s32 $0xFFFFFFFF  }
0x2d: {  	_ =	strace $0x90000048  }
0x2e: {  	_ =	sfence  }
0x2f: {  	s30 =	sld [smem:$0x0];
	_ =	sdelay $0x2  }
0x30: {  	s31 =	sshll.u32 s1, $0xD;
	s1 =	sshrl.u32 s1, $0x2  }
0x31: {  	s3 =	sand.u32 $0x4000, s31;
	s1 =	sadd.s32 s1, s30  }
0x32: {  	s0 =	sor.u32 s3, s0;
	s1 =	sshll.u32 s1, $0x11  }
0x33: {  	s0 =	sor.u32 s1, s0  }
0x34: {  	s0 =	sadd.s32 $0x8F2B, s0  }
0x35: {  	[sflag:s0] =	ssyncadd.remote.s32 $0x1  }
0x36: {  	_ =	sfence.sel $0xFFFF  }
0x37: {  	[dreg:$0x0] =	wrdreg $0xFFFFFFFF;
	(pc) =	sbr.abs _section_cstart, $3  }
0x38: {  	[dreg:$0x1] =	wrdreg $0xFFFFFFFF  }
0x39: {  	_ =	task.clear_ibuf [dreg:s7], $0x2FFFF;
	_ =	strace $0x9FFFFFFF  }
0x3a: {  	(tm) =	ssettm $0x7FFFFFFF  }
0x3b: {  	_ =	shalt  }
tec
execute0_lowered:
.L_overlay_start_1:
0x0: {  	(tag) =	ssettag $0x1  }
0x1: {  	s2 =	rddreg [dreg:$0x0]  }
0x2: {  	s1 =	rddreg [dreg:$0x1]  }
0x3: {  	s0 =	rddreg [dreg:$0x2];
	_ =	strace $0x80000047;
	s4 =	srdreg.scid  }
0x4: {  	s6 =	simm.s32 $0x2;
	s11 =	simm.s32 $0x0;
	p0 =	por $0x0, $0x0  }
.Ltmp0:
0x5: {  	s7 =	simm.s32 $0x4000;
	s12 =	simm.s32 $0x0;
	(pc) =	sbr.rel .LBB1_1-.Ltmp0, $4  }
0x6: {  	s9 =	simm.s32 $0x0;
	s3 =	sadd.s32 $0x1A00, s1;
	s5 =	sshll.u32 s4, $0x4  }
0x7: {  	s1 =	stileid.u32;
	s4 =	simm.s32 $0x1;
	s5 =	sand.u32 $0x10, s5  }
0x8: {  	s8 =	simm.s32 $0x0;
	[sflag:s4] =	ssyncpa.u1 $0x0;
	s5 =	sor.u32 s1, s5  }
0x9: {  	[sflag:s6] =	ssyncpa.u1 $0x0;
	s6 =	simm.s32 $0x800;
	s10 =	smov.u32 s5  }
.LBB1_7:
0xa: {  	s13 =	sadd.s32 $0x10, s9  }
0xb: {  	s11 =	sadd.s32 $0x20, s10;
	s15 =	smov.u32 s10;
	p2 =	sgt.s32 s13, $0x7F  }
0xc: {  	p1 =	slt.u32 s8, $0x2;
	s15 =	smov.u32 @p2 s11  }
0xd: {  	s8 =	sadd.s32 $0x1, s8;
	s13 =	simm.s32 @p2 $0x0;
	p2 =	sgt.s32 s15, $0x3F  }
0xe: {  	s15 =	smov.u32 @p2 s5;
	p2 =	sne.s32 s8, $0x12  }
.Ltmp1:
0xf: {  	_ = 	snop;
	(pc) =	sbr.rel @!p2 .LBB1_8-.Ltmp1, $4  }
0x10: {  	s14 =	simm.s32 @!p1 $0x2  }
0x11: {  	s12 =	smov.u32 s10;
	_ =	swait.ge @!p1 [sflag:s14], $0x4000  }
0x12: {  	p0 =	por !p0, !p0;
	s11 =	smov.u32 s9;
	[sflag:s14] =	ssyncset.done @!p1 $0x0  }
0x13: {  	s9 =	smov.u32 s13;
	[sflag:s14] =	ssyncadd.s32 @!p1 $0xFFFFC000;
	s10 =	smov.u32 s15  }
.LBB1_1:
0x14: {  	p1 =	sgt.u32 s8, $0xF  }
0x15: {  	s13 =	sxor.u32 @!p1 $0xFFFFFFFF, s8;
	s14 =	sshll.u32 @!p1 s10, $0xE  }
0x16: {  	s15 =	sshll.u32 @!p1 s9, $0x7;
	s13 =	sshll.u32 @!p1 s13, $0xE;
	s14 =	sadd.s32 @!p1 s2, s14  }
0x17: {  	s13 =	sand.u32 @!p1 $0x4000, s13;
	s14 =	sadd.s32 @!p1 s15, s14;
	s15 =	simm.s32 @!p1 $0x0  }
0x18: {  	[tilespmem:s13], [sflag:$0x1] =	stream.linear.gather @!p1 [hbm4b:s14+s15], $0x4000, $0x38;
	[tilespmem:$0x10000] =	vst v63  }
0x19: {  	p1 =	seq.s32 s8, $0x0  }
0x1a: {  	p2 =	seq.s32 @!p1 s8, $0x11  }
0x1b: {  	p1 =	por p1, p2  }
.Ltmp2:
0x1c: {  	_ = 	snop;
	(pc) =	sbr.rel @p1 .LBB1_7-.Ltmp2, $1  }
0x1d: {  	_ =	sdelay $0x3  }
0x1e: {  	s13 =	simm.s32 $0x1;
	_ =	swait.ge [sflag:s4], $0x4000;
	s16 =	sshll.u32 s8, $0xE  }
0x1f: {  	s13 =	simm.s32 @!p0 $0x0;
	[sflag:s4] =	ssyncset.done $0x0;
	s31 =	sand.u32 $0x4000, s16  }
0x20: {  	s16 =	simm.s32 $0x0;
	s14 =	sshll.u32 s13, $0xE;
	[sflag:s4] =	ssyncadd.s32 $0xFFFFC000  }
0x21: {  	s13 =	sor.u32 $0x8040, s14;
	s15 =	sor.u32 $0x40, s14;
	s14 =	sor.u32 $0x8000, s31  }
.LBB1_3:
0x22: {  	v0 =	vmov s15;
	_ =	sdelay $0x3  }
0x23: {  	s18 =	simm.s32 $0x0  }
0x24: {  	v6 =	vld.idx.msk [tilespmem:v0+s18+$0x30 ss:$0x1], $0xffff  }
0x25: {  	v7 =	vld.idx.msk [tilespmem:v0+s18+$0xFFFFFFC0 ss:$0x1], $0xffff  }
0x26: {  	v5 =	vld.idx.msk [tilespmem:v0+s18+$0xFFFFFFD0 ss:$0x1], $0xffff  }
0x27: {  	v4 =	vld.idx.msk [tilespmem:v0+s18+$0xFFFFFFE0 ss:$0x1], $0xffff  }
0x28: {  	v3 =	vld.idx.msk [tilespmem:v0+s18+$0xFFFFFFF0 ss:$0x1], $0xffff  }
0x29: {  	v1 =	vld.idx.msk [tilespmem:v0+s18+$0x0 ss:$0x1], $0xffff  }
0x2a: {  	v2 =	vld.idx.msk [tilespmem:v0+s18+$0x10 ss:$0x1], $0xffff;
	[tilespmem:s13+$0x30] =	vst v6  }
0x2b: {  	s17 =	simm.s32 $0x80;
	s19 =	simm.s32 $0x400;
	[tilespmem:s13+$0xFFFFFFC0] =	vst v7;
	v6 =	vld.idx.msk [tilespmem:v0+s18+$0x20 ss:$0x1], $0xffff;
	s18 =	smov.u32 s13  }
.LBB1_4:
0x2c: {  	p1 =	sne.s32 s19, $0xE00;
	v7 =	vld.idx.msk [tilespmem:v0+s17+$0x30 ss:$0x1], $0xffff;
	[tilespmem:s18+$0xFFFFFFD0] =	vst v5  }
0x2d: {  	v8 =	vld.idx.msk [tilespmem:v0+s17+$0xFFFFFFC0 ss:$0x1], $0xffff;
	[tilespmem:s18+$0xFFFFFFE0] =	vst v4  }
0x2e: {  	v5 =	vld.idx.msk [tilespmem:v0+s17+$0xFFFFFFD0 ss:$0x1], $0xffff;
	[tilespmem:s18+$0xFFFFFFF0] =	vst v3  }
.Ltmp3:
0x2f: {  	v4 =	vld.idx.msk [tilespmem:v0+s17+$0xFFFFFFE0 ss:$0x1], $0xffff;
	[tilespmem:s18+$0x0] =	vst v1;
	(pc) =	sbr.rel @p1 .LBB1_4-.Ltmp3, $4  }
0x30: {  	v3 =	vld.idx.msk [tilespmem:v0+s17+$0xFFFFFFF0 ss:$0x1], $0xffff;
	[tilespmem:s18+$0x10] =	vst v2  }
0x31: {  	v1 =	vld.idx.msk [tilespmem:v0+s17+$0x0 ss:$0x1], $0xffff;
	[tilespmem:s18+$0x20] =	vst v6;
	s18 =	sadd.s32 $0x800, s18  }
0x32: {  	v2 =	vld.idx.msk [tilespmem:v0+s17+$0x10 ss:$0x1], $0xffff;
	[tilespmem:s18+$0x30] =	vst v7  }
0x33: {  	[tilespmem:s18+$0xFFFFFFC0] =	vst v8;
	v6 =	vld.idx.msk [tilespmem:v0+s17+$0x20 ss:$0x1], $0xffff;
	s17 =	sshra.s32 s19, $0x2;
	s19 =	sadd.s32 $0x200, s19  }
0x34: {  	_ =	sdelay $0x2  }
0x35: {  	[tilespmem:s18+$0xFFFFFFD0] =	vst v5  }
0x36: {  	v56 =	vld.idx.msk [tilespmem:v0+s17+$0x30 ss:$0x1], $0xffff;
	[tilespmem:s18+$0xFFFFFFE0] =	vst v4  }
0x37: {  	v57 =	vld.idx.msk [tilespmem:v0+s17+$0xFFFFFFC0 ss:$0x1], $0xffff;
	[tilespmem:s18+$0xFFFFFFF0] =	vst v3  }
0x38: {  	v58 =	vld.idx.msk [tilespmem:v0+s17+$0xFFFFFFD0 ss:$0x1], $0xffff;
	[tilespmem:s18+$0x0] =	vst v1  }
0x39: {  	v59 =	vld.idx.msk [tilespmem:v0+s17+$0xFFFFFFE0 ss:$0x1], $0xffff;
	[tilespmem:s18+$0x10] =	vst v2  }
0x3a: {  	v60 =	vld.idx.msk [tilespmem:v0+s17+$0xFFFFFFF0 ss:$0x1], $0xffff;
	s31 =	sadd.s32 $0x800, s18;
	[tilespmem:s18+$0x20] =	vst v6  }
0x3b: {  	v61 =	vld.idx.msk [tilespmem:v0+s17+$0x0 ss:$0x1], $0xffff;
	[tilespmem:s31+$0x30] =	vst v56  }
0x3c: {  	v62 =	vld.idx.msk [tilespmem:v0+s17+$0x10 ss:$0x1], $0xffff;
	s16 =	sadd.s32 $0x1, s16;
	[tilespmem:s31+$0xFFFFFFC0] =	vst v57  }
0x3d: {  	v63 =	vld.idx.msk [tilespmem:v0+s17+$0x20 ss:$0x1], $0xffff;
	p1 =	sne.s32 s16, $0x10;
	[tilespmem:s31+$0xFFFFFFD0] =	vst v58  }
.Ltmp4:
0x3e: {  	[tilespmem:s31+$0xFFFFFFE0] =	vst v59;
	(pc) =	sbr.rel @p1 .LBB1_3-.Ltmp4, $4  }
0x3f: {  	[tilespmem:s31+$0xFFFFFFF0] =	vst v60  }
0x40: {  	[tilespmem:s31+$0x0] =	vst v61  }
0x41: {  	[tilespmem:s31+$0x10] =	vst v62  }
0x42: {  	s13 =	sadd.s32 $0x80, s13;
	s15 =	sadd.s32 $0x400, s15;
	[tilespmem:s31+$0x20] =	vst v63  }
.Ltmp5:
0x43: {  	(pc) =	sbr.rel .LBB1_7-.Ltmp5, $4  }
0x44: {  	s12 =	sshll.u32 s12, $0xE;
	s11 =	sshll.u32 s11, $0x4  }
0x45: {  	s11 =	sand.u32 $0x7F0, s11;
	s12 =	sadd.s32 s3, s12  }
0x46: {  	s11 =	sadd.s32 s11, s12  }
0x47: {  	[hbm4b:s11+s6] =	stream.strided.scatter [tilespmem:s14], [sflag:$0x2], $0x4000, s7, s6, $0x38;
	[tilespmem:$0x10000] =	vst v63  }
.LBB1_8:
0x48: {  	_ =	sfence.sel $0x180000  }
0x49: {  	s2 =	simm.s32 $0x1;
	[bflag:$0x0] =	sbarrier.arrive $0xFFFF  }
0x4a: {  	s31 =	simm.s32 $0x2;
	[sflag:s2] =	ssyncpa.u1 $0x1  }
0x4b: {  	[sflag:s31] =	ssyncpa.u1 $0x1  }
0x4c: {  	p0 =	sne.s32 s1, $0x0;
	_ =	strace $0x90000047  }
0x4d: {  	s0 =	sadd.s32 @!p0 $0x100000, s0;
	[bflag:$0x2] =	sbarrier.arrive $0xFFFF  }
0x4e: {  	[sflag:s0] =	ssyncadd.tile.s32 @!p0 $0x1;
	_ =	shalt  }
.Lfunc_end1:
_tile_overlayer_lowered:
.L_overlay_start_2:
0x4f: {  	(tag) =	ssettag $0x2  }
0x50: {  	s0 =	rddreg [dreg:$0x0];
	s2 =	stileid.u32  }
0x51: {  	s1 =	rddreg [dreg:$0x1];
	p0 =	sne.s32 s2, $0x0  }
0x52: {  	s3 =	rddreg [dreg:$0x2];
	[bflag:$0x3] =	sbarrier.arrive $0xFFFF;
	s2 =	simm.s32 @!p0 $0x1C01  }
0x53: {  	[timem:s3], [sflag:s2] =	dma.local @!p0 [hbm:s0], s1  }
0x54: {  	s0 =	simm.s32 @!p0 $0x1  }
0x55: {  	_ =	swait.ge @!p0 [sflag:s0], s1  }
0x56: {  	s1 =	ssub.s32 @!p0 $0x0, s1;
	[sflag:s0] =	ssyncset.done @!p0 $0x0  }
0x57: {  	[sflag:s0] =	ssyncadd.s32 @!p0 s1  }
0x58: {  	[bflag:$0x3] =	sbarrier.arrive $0xFFFF  }
0x59: {  	_ =	shalt  }

// kernel: sparse-core-data-format-call.cloned.1.call-start
scs
called_computation_lowered:
.L_overlay_start_0:
0x0: {  	s2 =	sld [smem:$0x3FD9]  }
0x1: {  	s3 =	sld [smem:$0x3FFE];
	_ =	sdelay $0x1  }
0x2: {  	s1 =	srdreg.scid  }
0x3: {  	s0 =	sand.u32 $0x1, s1  }
0x4: {  	s18 =	sshll.u32 s0, $0xA;
	s2 =	sadd.s32 s3, s2  }
0x5: {  	s2 =	sadd.s32 s2, s18  }
0x6: {  	[smem:$0x3FC1] =	sst s2  }
0x7: {  	_ = 	snop  }
0x8: {  	s19 =	sld [smem:$0x3FC3];
	(tm) =	ssettm $0x1  }
0x9: {  	s20 =	sld [smem:$0x3FFB];
	_ =	sdelay $0x3  }
0xa: {  	_ =	strace s20  }
0xb: {  	s2 =	sld [smem:$0x3FFC];
	_ =	sdelay $0x3  }
0xc: {  	_ =	strace s2  }
0xd: {  	s2 =	sld [smem:$0x3FFD];
	_ =	sdelay $0x3  }
0xe: {  	_ =	strace s2  }
0xf: {  	_ =	strace $0x8FFFFFFF  }
0x10: {  	s21 =	sld [smem:$0x3FDB];
	_ =	sdelay $0x1  }
0x11: {  	s4 =	simm.s32 $_scs_section_size  }
0x12: {  	s5 =	simm.s32 $_size__tile_overlayer_lowered;
	s6 =	simm.s32 $_tile_overlayer_lowered  }
0x13: {  	s7 =	simm.s32 $0x1BFF;
	s22 =	sshll.u32 s6, $0x1;
	s4 =	sadd.s32 s4, s21  }
0x14: {  	s23 =	simm.s32 $0x0;
	s5 =	sshll.u32 s5, $0x1;
	s6 =	sadd.s32 s22, s4  }
0x15: {  	[timem:s23], [sflag:s7] =	dma.local [hbm:s6], s5  }
0x16: {  	_ =	swait.ge [sflag:s7], s5  }
0x17: {  	s5 =	ssub.s32 $0x0, s5;
	[sflag:s7] =	ssyncset.done $0x0  }
0x18: {  	[sflag:s7] =	ssyncadd.s32 s5;
	_ =	sdelay $0x1  }
0x19: {  	s24 =	simm.s32 $0x1B8B  }
0x1a: {  	_ =	swait.ge [sflag:s24], $0x1  }
0x1b: {  	[sflag:s24] =	ssyncset.done $0x0  }
0x1c: {  	[sflag:s24] =	ssyncadd.s32 $0xFFFFFFFF  }
0x1d: {  	s5 =	sld [smem:$0x0]  }
0x1e: {  	s6 =	sand.u32 $0xFFFFFFFE, s1  }
0x1f: {  	p0 =	sne.s32 s1, s6  }
0x20: {  	s6 =	sshll.u32 @p0 s6, $0xE  }
0x21: {  	s6 =	sadd.s32 @p0 $0x11B8D, s6;
	s7 =	sshll.u32 @p0 s5, $0x11  }
0x22: {  	s6 =	sor.u32 @p0 s7, s6  }
0x23: {  	[sflag:s6] =	ssyncadd.remote.s32 @p0 $0x1;
	_ =	sdelay $0x1  }
0x24: {  	s6 =	simm.s32 @p0 $0x1B8D  }
0x25: {  	_ =	swait.eq @p0 [sflag:s6], $0x1  }
0x26: {  	[sflag:s6] =	ssyncadd.s32 @p0 $0xFFFFFFFF  }
0x27: {  	s7 =	sshll.u32 @!p0 s1, $0xE  }
0x28: {  	s7 =	sor.u32 @!p0 $0x4000, s7;
	s6 =	simm.s32 @!p0 $0x1B8D  }
0x29: {  	s5 =	sshll.u32 @!p0 s5, $0x11;
	s7 =	sadd.s32 @!p0 $0x11B8D, s7;
	_ =	swait.eq @!p0 [sflag:s6], $0x1  }
0x2a: {  	s5 =	sor.u32 @!p0 s5, s7;
	[sflag:s6] =	ssyncadd.s32 @!p0 $0xFFFFFFFF  }
0x2b: {  	s26 =	simm.s32 $0x1B8E;
	s25 =	sld [smem:$0x3FFE];
	[sflag:s5] =	ssyncadd.remote.s32 @!p0 $0x1  }
0x2c: {  	s27 =	simm.s32 $execute0_lowered;
	[smem:$0x3FD2] =	sst s26  }
0x2d: {  	s6 =	sshll.u32 s27, $0x1;
	_ =	strace $0x80000049;
	[dreg:$0x1] =	wrdreg $0xFFFFFFFF  }
0x2e: {  	s28 =	simm.s32 $_size_execute0_lowered;
	s4 =	sadd.s32 s4, s6;
	[dreg:$0x0] =	wrdreg $0x0  }
0x2f: {  	s6 =	sshll.u32 s28, $0x1;
	[dreg:$0x2] =	wrdreg s4  }
0x30: {  	[dreg:$0x3] =	wrdreg s6  }
0x31: {  	[dreg:$0x4] =	wrdreg $0xC0  }
0x32: {  	_ =	task [dreg:s23], $0x5FFFF  }
0x33: {  	[dreg:$0x1] =	wrdreg $0xFFFFFFFF  }
0x34: {  	[dreg:$0x0] =	wrdreg $0x60  }
0x35: {  	[dreg:$0x2] =	wrdreg s19  }
0x36: {  	[dreg:$0x3] =	wrdreg s25  }
0x37: {  	[dreg:$0x4] =	wrdreg $0x9  }
0x38: {  	_ =	task.clear_ibuf [dreg:s23], $0x5FFFF;
	_ =	strace $0x90000049  }
0x39: {  	s29 =	simm.s32 $0x9;
	_ =	strace $0x8000004B  }
0x3a: {  	_ =	swait.ge [sflag:s29], $0x1  }
0x3b: {  	[sflag:s29] =	ssyncadd.s32 $0xFFFFFFFF  }
0x3c: {  	_ =	strace $0x9000004B  }
0x3d: {  	_ =	sfence  }
0x3e: {  	s30 =	sld [smem:$0x0];
	_ =	sdelay $0x2  }
0x3f: {  	s31 =	sshll.u32 s1, $0xD;
	s1 =	sshrl.u32 s1, $0x2  }
0x40: {  	s4 =	sand.u32 $0x4000, s31;
	s1 =	sadd.s32 s1, s30  }
0x41: {  	s0 =	sor.u32 s4, s0;
	s1 =	sshll.u32 s1, $0x11  }
0x42: {  	s0 =	sor.u32 s1, s0  }
0x43: {  	s0 =	sadd.s32 $0x8F2B, s0  }
0x44: {  	[sflag:s0] =	ssyncadd.remote.s32 $0x1  }
0x45: {  	_ =	sfence.sel $0xFFFF  }
0x46: {  	[dreg:$0x0] =	wrdreg $0xFFFFFFFF;
	(pc) =	sbr.abs _section_cstart, $3  }
0x47: {  	[dreg:$0x1] =	wrdreg $0xFFFFFFFF  }
0x48: {  	_ =	task.clear_ibuf [dreg:s23], $0x2FFFF;
	_ =	strace $0x9FFFFFFF  }
0x49: {  	(tm) =	ssettm $0x7FFFFFFF  }
tec
execute0_lowered:
.L_overlay_start_1:
0x0: {  	(tag) =	ssettag $0x1  }
0x1: {  	s2 =	rddreg [dreg:$0x0]  }
0x2: {  	s1 =	rddreg [dreg:$0x1]  }
0x3: {  	s0 =	rddreg [dreg:$0x2];
	_ =	strace $0x8000004A;
	s4 =	srdreg.scid  }
0x4: {  	s6 =	simm.s32 $0x2;
	s11 =	simm.s32 $0x0;
	p0 =	por $0x0, $0x0  }
.Ltmp0:
0x5: {  	s7 =	simm.s32 $0x4000;
	s12 =	simm.s32 $0x0;
	(pc) =	sbr.rel .LBB1_1-.Ltmp0, $4  }
0x6: {  	s9 =	simm.s32 $0x0;
	s3 =	sadd.s32 $0x101A00, s1;
	s5 =	sshll.u32 s4, $0x4  }
0x7: {  	s1 =	stileid.u32;
	s4 =	simm.s32 $0x1;
	s5 =	sand.u32 $0x10, s5  }
0x8: {  	s8 =	simm.s32 $0x0;
	[sflag:s4] =	ssyncpa.u1 $0x0;
	s5 =	sor.u32 s1, s5  }
0x9: {  	[sflag:s6] =	ssyncpa.u1 $0x0;
	s6 =	simm.s32 $0x800;
	s10 =	smov.u32 s5  }
.LBB1_7:
0xa: {  	s13 =	sadd.s32 $0x10, s9  }
0xb: {  	s11 =	sadd.s32 $0x20, s10;
	s15 =	smov.u32 s10;
	p2 =	sgt.s32 s13, $0x7F  }
0xc: {  	p1 =	slt.u32 s8, $0x2;
	s15 =	smov.u32 @p2 s11  }
0xd: {  	s8 =	sadd.s32 $0x1, s8;
	s13 =	simm.s32 @p2 $0x0;
	p2 =	sgt.s32 s15, $0x7F  }
0xe: {  	s15 =	smov.u32 @p2 s5;
	p2 =	sne.s32 s8, $0x22  }
.Ltmp1:
0xf: {  	_ = 	snop;
	(pc) =	sbr.rel @!p2 .LBB1_8-.Ltmp1, $4  }
0x10: {  	s14 =	simm.s32 @!p1 $0x2  }
0x11: {  	s12 =	smov.u32 s10;
	_ =	swait.ge @!p1 [sflag:s14], $0x4000  }
0x12: {  	p0 =	por !p0, !p0;
	s11 =	smov.u32 s9;
	[sflag:s14] =	ssyncset.done @!p1 $0x0  }
0x13: {  	s9 =	smov.u32 s13;
	[sflag:s14] =	ssyncadd.s32 @!p1 $0xFFFFC000;
	s10 =	smov.u32 s15  }
.LBB1_1:
0x14: {  	p1 =	sgt.u32 s8, $0x1F  }
0x15: {  	s13 =	sxor.u32 @!p1 $0xFFFFFFFF, s8;
	s14 =	sshll.u32 @!p1 s10, $0xE  }
0x16: {  	s15 =	sshll.u32 @!p1 s9, $0x7;
	s13 =	sshll.u32 @!p1 s13, $0xE;
	s14 =	sadd.s32 @!p1 s2, s14  }
0x17: {  	s13 =	sand.u32 @!p1 $0x4000, s13;
	s14 =	sadd.s32 @!p1 s15, s14;
	s15 =	simm.s32 @!p1 $0x0  }
0x18: {  	[tilespmem:s13], [sflag:$0x1] =	stream.linear.gather @!p1 [hbm4b:s14+s15], $0x4000, $0x38;
	[tilespmem:$0x10000] =	vst v63  }
0x19: {  	p1 =	seq.s32 s8, $0x0  }
0x1a: {  	p2 =	seq.s32 @!p1 s8, $0x21  }
0x1b: {  	p1 =	por p1, p2  }
.Ltmp2:
0x1c: {  	_ = 	snop;
	(pc) =	sbr.rel @p1 .LBB1_7-.Ltmp2, $1  }
0x1d: {  	_ =	sdelay $0x3  }
0x1e: {  	s13 =	simm.s32 $0x1;
	_ =	swait.ge [sflag:s4], $0x4000;
	s16 =	sshll.u32 s8, $0xE  }
0x1f: {  	s13 =	simm.s32 @!p0 $0x0;
	[sflag:s4] =	ssyncset.done $0x0;
	s31 =	sand.u32 $0x4000, s16  }
0x20: {  	s16 =	simm.s32 $0x0;
	s14 =	sshll.u32 s13, $0xE;
	[sflag:s4] =	ssyncadd.s32 $0xFFFFC000  }
0x21: {  	s13 =	sor.u32 $0x8040, s14;
	s15 =	sor.u32 $0x40, s14;
	s14 =	sor.u32 $0x8000, s31  }
.LBB1_3:
0x22: {  	v0 =	vmov s15;
	_ =	sdelay $0x3  }
0x23: {  	s18 =	simm.s32 $0x0  }
0x24: {  	v6 =	vld.idx.msk [tilespmem:v0+s18+$0x30 ss:$0x1], $0xffff  }
0x25: {  	v7 =	vld.idx.msk [tilespmem:v0+s18+$0xFFFFFFC0 ss:$0x1], $0xffff  }
0x26: {  	v5 =	vld.idx.msk [tilespmem:v0+s18+$0xFFFFFFD0 ss:$0x1], $0xffff  }
0x27: {  	v4 =	vld.idx.msk [tilespmem:v0+s18+$0xFFFFFFE0 ss:$0x1], $0xffff  }
0x28: {  	v3 =	vld.idx.msk [tilespmem:v0+s18+$0xFFFFFFF0 ss:$0x1], $0xffff  }
0x29: {  	v1 =	vld.idx.msk [tilespmem:v0+s18+$0x0 ss:$0x1], $0xffff  }
0x2a: {  	v2 =	vld.idx.msk [tilespmem:v0+s18+$0x10 ss:$0x1], $0xffff;
	[tilespmem:s13+$0x30] =	vst v6  }
0x2b: {  	s17 =	simm.s32 $0x80;
	s19 =	simm.s32 $0x400;
	[tilespmem:s13+$0xFFFFFFC0] =	vst v7;
	v6 =	vld.idx.msk [tilespmem:v0+s18+$0x20 ss:$0x1], $0xffff;
	s18 =	smov.u32 s13  }
.LBB1_4:
0x2c: {  	p1 =	sne.s32 s19, $0xE00;
	v7 =	vld.idx.msk [tilespmem:v0+s17+$0x30 ss:$0x1], $0xffff;
	[tilespmem:s18+$0xFFFFFFD0] =	vst v5  }
0x2d: {  	v8 =	vld.idx.msk [tilespmem:v0+s17+$0xFFFFFFC0 ss:$0x1], $0xffff;
	[tilespmem:s18+$0xFFFFFFE0] =	vst v4  }
0x2e: {  	v5 =	vld.idx.msk [tilespmem:v0+s17+$0xFFFFFFD0 ss:$0x1], $0xffff;
	[tilespmem:s18+$0xFFFFFFF0] =	vst v3  }
.Ltmp3:
0x2f: {  	v4 =	vld.idx.msk [tilespmem:v0+s17+$0xFFFFFFE0 ss:$0x1], $0xffff;
	[tilespmem:s18+$0x0] =	vst v1;
	(pc) =	sbr.rel @p1 .LBB1_4-.Ltmp3, $4  }
0x30: {  	v3 =	vld.idx.msk [tilespmem:v0+s17+$0xFFFFFFF0 ss:$0x1], $0xffff;
	[tilespmem:s18+$0x10] =	vst v2  }
0x31: {  	v1 =	vld.idx.msk [tilespmem:v0+s17+$0x0 ss:$0x1], $0xffff;
	[tilespmem:s18+$0x20] =	vst v6;
	s18 =	sadd.s32 $0x800, s18  }
0x32: {  	v2 =	vld.idx.msk [tilespmem:v0+s17+$0x10 ss:$0x1], $0xffff;
	[tilespmem:s18+$0x30] =	vst v7  }
0x33: {  	[tilespmem:s18+$0xFFFFFFC0] =	vst v8;
	v6 =	vld.idx.msk [tilespmem:v0+s17+$0x20 ss:$0x1], $0xffff;
	s17 =	sshra.s32 s19, $0x2;
	s19 =	sadd.s32 $0x200, s19  }
0x34: {  	_ =	sdelay $0x2  }
0x35: {  	[tilespmem:s18+$0xFFFFFFD0] =	vst v5  }
0x36: {  	v56 =	vld.idx.msk [tilespmem:v0+s17+$0x30 ss:$0x1], $0xffff;
	[tilespmem:s18+$0xFFFFFFE0] =	vst v4  }
0x37: {  	v57 =	vld.idx.msk [tilespmem:v0+s17+$0xFFFFFFC0 ss:$0x1], $0xffff;
	[tilespmem:s18+$0xFFFFFFF0] =	vst v3  }
0x38: {  	v58 =	vld.idx.msk [tilespmem:v0+s17+$0xFFFFFFD0 ss:$0x1], $0xffff;
	[tilespmem:s18+$0x0] =	vst v1  }
0x39: {  	v59 =	vld.idx.msk [tilespmem:v0+s17+$0xFFFFFFE0 ss:$0x1], $0xffff;
	[tilespmem:s18+$0x10] =	vst v2  }
0x3a: {  	v60 =	vld.idx.msk [tilespmem:v0+s17+$0xFFFFFFF0 ss:$0x1], $0xffff;
	s31 =	sadd.s32 $0x800, s18;
	[tilespmem:s18+$0x20] =	vst v6  }
0x3b: {  	v61 =	vld.idx.msk [tilespmem:v0+s17+$0x0 ss:$0x1], $0xffff;
	[tilespmem:s31+$0x30] =	vst v56  }
0x3c: {  	v62 =	vld.idx.msk [tilespmem:v0+s17+$0x10 ss:$0x1], $0xffff;
	s16 =	sadd.s32 $0x1, s16;
	[tilespmem:s31+$0xFFFFFFC0] =	vst v57  }
0x3d: {  	v63 =	vld.idx.msk [tilespmem:v0+s17+$0x20 ss:$0x1], $0xffff;
	p1 =	sne.s32 s16, $0x10;
	[tilespmem:s31+$0xFFFFFFD0] =	vst v58  }
.Ltmp4:
0x3e: {  	[tilespmem:s31+$0xFFFFFFE0] =	vst v59;
	(pc) =	sbr.rel @p1 .LBB1_3-.Ltmp4, $4  }
0x3f: {  	[tilespmem:s31+$0xFFFFFFF0] =	vst v60  }
0x40: {  	[tilespmem:s31+$0x0] =	vst v61  }
0x41: {  	[tilespmem:s31+$0x10] =	vst v62  }
0x42: {  	s13 =	sadd.s32 $0x80, s13;
	s15 =	sadd.s32 $0x400, s15;
	[tilespmem:s31+$0x20] =	vst v63  }
.Ltmp5:
0x43: {  	(pc) =	sbr.rel .LBB1_7-.Ltmp5, $4  }
0x44: {  	s12 =	sshll.u32 s12, $0xE;
	s11 =	sshll.u32 s11, $0x4  }
0x45: {  	s11 =	sand.u32 $0x7F0, s11;
	s12 =	sadd.s32 s3, s12  }
0x46: {  	s11 =	sadd.s32 s11, s12  }
0x47: {  	[hbm4b:s11+s6] =	stream.strided.scatter [tilespmem:s14], [sflag:$0x2], $0x4000, s7, s6, $0x38;
	[tilespmem:$0x10000] =	vst v63  }
.LBB1_8:
0x48: {  	_ =	sfence.sel $0x180000  }
0x49: {  	s2 =	simm.s32 $0x1;
	[bflag:$0x0] =	sbarrier.arrive $0xFFFF  }
0x4a: {  	s31 =	simm.s32 $0x2;
	[sflag:s2] =	ssyncpa.u1 $0x1  }
0x4b: {  	[sflag:s31] =	ssyncpa.u1 $0x1  }
0x4c: {  	p0 =	sne.s32 s1, $0x0;
	_ =	strace $0x9000004A  }
0x4d: {  	s0 =	sadd.s32 @!p0 $0x100000, s0;
	[bflag:$0x2] =	sbarrier.arrive $0xFFFF  }
0x4e: {  	[sflag:s0] =	ssyncadd.tile.s32 @!p0 $0x1;
	_ =	shalt  }
.Lfunc_end1:
_tile_overlayer_lowered:
.L_overlay_start_2:
0x4f: {  	(tag) =	ssettag $0x2  }
0x50: {  	s0 =	rddreg [dreg:$0x0];
	s2 =	stileid.u32  }
0x51: {  	s1 =	rddreg [dreg:$0x1];
	p0 =	sne.s32 s2, $0x0  }
0x52: {  	s3 =	rddreg [dreg:$0x2];
	[bflag:$0x3] =	sbarrier.arrive $0xFFFF;
	s2 =	simm.s32 @!p0 $0x1C01  }
0x53: {  	[timem:s3], [sflag:s2] =	dma.local @!p0 [hbm:s0], s1  }
0x54: {  	s0 =	simm.s32 @!p0 $0x1  }
0x55: {  	_ =	swait.ge @!p0 [sflag:s0], s1  }
0x56: {  	s1 =	ssub.s32 @!p0 $0x0, s1;
	[sflag:s0] =	ssyncset.done @!p0 $0x0  }
0x57: {  	[sflag:s0] =	ssyncadd.s32 @!p0 s1  }
0x58: {  	[bflag:$0x3] =	sbarrier.arrive $0xFFFF  }
0x59: {  	_ =	shalt  }

</sc_bundles>
